<compile_context>
chip_gen: v7x
topology: tpu7x:2x2x1
jax: 0.10.2.dev20260603
libtpu: 0.0.44.dev20260713+nightly
codegen_flags: <defaults>
</compile_context>

<pallas_src>
import jax
import jax.numpy as jnp
from jax import lax
from jax.experimental import pallas as pl
from jax.experimental.pallas import tpu as pltpu
from jax.experimental.pallas import tpu_sc as plsc

EMBED = 64
B = 4096
L = 200
CH0 = 128
CH1 = L - CH0

_info = plsc.get_sparse_core_info()
NC, NS, NL = _info.num_cores, _info.num_subcores, _info.num_lanes
NW = NC * NS
RPW = B // NW
HALF = RPW // 2
NACC = EMBED // NL


def _pool_body(idx_hbm, table_hbm, out_hbm, idx_v, rows0, rows1, pooled_v,
               sem0, sem1):
    wid = lax.axis_index("s") * NC + lax.axis_index("c")
    base = wid * RPW
    pltpu.sync_copy(idx_hbm.at[pl.ds(base, RPW)], idx_v)

    def issue(b, rows, sem):
        pltpu.async_copy(table_hbm.at[idx_v.at[b, pl.ds(0, CH0)]],
                         rows.at[pl.ds(0, CH0)], sem)
        pltpu.async_copy(table_hbm.at[idx_v.at[b, pl.ds(CH0, CH1)]],
                         rows.at[pl.ds(CH0, CH1)], sem)

    def drain(rows, sem):
        pltpu.make_async_copy(table_hbm.at[pl.ds(0, L)], rows, sem).wait()

    def reduce_into(rows, b):
        def rbody(j, accs):
            return tuple(accs[k] + rows[j, pl.ds(NL * k, NL)]
                         for k in range(NACC))
        z = jnp.zeros((NL,), jnp.float32)
        accs = lax.fori_loop(0, L, rbody, (z,) * NACC, unroll=8)
        for k in range(NACC):
            pooled_v[b, pl.ds(NL * k, NL)] = accs[k]

    issue(0, rows0, sem0)

    def body(i, carry):
        b = 2 * i
        issue(b + 1, rows1, sem1)
        drain(rows0, sem0)
        reduce_into(rows0, b)

        @pl.when(i < HALF - 1)
        def _():
            issue(b + 2, rows0, sem0)

        drain(rows1, sem1)
        reduce_into(rows1, b + 1)
        return carry

    lax.fori_loop(0, HALF, body, 0)
    pltpu.sync_copy(pooled_v, out_hbm.at[pl.ds(base, RPW)])


def _pool(inputs, table):
    mesh = plsc.VectorSubcoreMesh(core_axis_name="c", subcore_axis_name="s")
    f = pl.kernel(
        _pool_body,
        mesh=mesh,
        compiler_params=pltpu.CompilerParams(use_tc_tiling_on_sc=False),
        out_type=jax.ShapeDtypeStruct((B, EMBED), jnp.float32),
        scratch_types=[
            pltpu.VMEM((RPW, L), jnp.int32),
            pltpu.VMEM((L, EMBED), jnp.float32),
            pltpu.VMEM((L, EMBED), jnp.float32),
            pltpu.VMEM((RPW, EMBED), jnp.float32),
            pltpu.SemaphoreType.DMA,
            pltpu.SemaphoreType.DMA,
        ],
    )
    return f(inputs, table)


def _mlp_body(x_ref, w1_ref, b1_ref, w2_ref, b2_ref, w3_ref, b3_ref, o_ref):
    h = jnp.tanh(jnp.dot(x_ref[...], w1_ref[...],
                         preferred_element_type=jnp.float32) + b1_ref[...])
    h = jnp.tanh(jnp.dot(h, w2_ref[...],
                         preferred_element_type=jnp.float32) + b2_ref[...])
    o_ref[...] = jnp.dot(h, w3_ref[...],
                         preferred_element_type=jnp.float32) + b3_ref[...]


def _mlp(x, W1, b1, W2, b2, W3, b3):
    ncls = W3.shape[1]
    pad = 128 - ncls
    W3p = jnp.pad(W3, ((0, 0), (0, pad)))
    b3p = jnp.pad(b3, (0, pad))
    out = pl.pallas_call(
        _mlp_body,
        out_shape=jax.ShapeDtypeStruct((B, 128), jnp.float32),
    )(x, W1, b1.reshape(1, -1), W2, b2.reshape(1, -1),
      W3p, b3p.reshape(1, -1))
    return out[:, :ncls]


def kernel(inputs, table, W1, b1, W2, b2, W3, b3):
    pooled = _pool(inputs, table)
    return _mlp(pooled, W1, b1, W2, b2, W3, b3)

# --- scband reference (transcript-rebuilt; emitter-appended) ---
"""Pipeline reference for scband-deep-cbow-75325136437756 (READ-ONLY COPY).

The authoritative reference and input builder live on the scoring server;
editing this copy changes nothing except your own understanding.
"""

import jax, jax.numpy as jnp
import numpy as np

VOCAB = 1000000
EMBED = 64
H1 = 128
H2 = 128
NCLS = 5
B = 4096
L = 200

def setup_inputs(seed: int = 0) -> dict:
    key = jax.random.key(seed)
    k_idx, k_emb, k_w1, k_b1, k_w2, k_b2, k_w3, k_b3 = jax.random.split(key, 8)
    inputs = jax.random.randint(k_idx, (B, L), 0, VOCAB, dtype=jnp.int64) if jax.config.jax_enable_x64 else jax.random.randint(k_idx, (B, L), 0, VOCAB, dtype=jnp.int32)
    table = jax.random.normal(k_emb, (VOCAB, EMBED), dtype=jnp.float32) * 0.02
    W1 = jax.random.normal(k_w1, (EMBED, H1), dtype=jnp.float32) * (1.0 / np.sqrt(EMBED))
    b1 = jax.random.normal(k_b1, (H1,), dtype=jnp.float32) * 0.01
    W2 = jax.random.normal(k_w2, (H1, H2), dtype=jnp.float32) * (1.0 / np.sqrt(H1))
    b2 = jax.random.normal(k_b2, (H2,), dtype=jnp.float32) * 0.01
    W3 = jax.random.normal(k_w3, (H2, NCLS), dtype=jnp.float32) * (1.0 / np.sqrt(H2))
    b3 = jax.random.normal(k_b3, (NCLS,), dtype=jnp.float32) * 0.01
    return {"inputs": inputs, "table": table, "W1": W1, "b1": b1, "W2": W2, "b2": b2, "W3": W3, "b3": b3}

def reference(inputs, table, W1, b1, W2, b2, W3, b3):
    # embedding lookup: [B, L, EMBED]
    embeds = jnp.take(table, inputs, axis=0)
    # continuous bag-of-words: sum over sequence dim
    pooled = embeds.sum(axis=1)  # [B, EMBED]
    h = jnp.tanh(pooled @ W1 + b1)
    h = jnp.tanh(h @ W2 + b2)
    logits = h @ W3 + b3
    return logits

if __name__ == "__main__":
    import jax
    _d = setup_inputs()
    print(jax.jit(kernel)(*tuple(_d.values())))

</pallas_src>

<mosaic_0001>
#map = affine_map<(d0, d1) -> (0, 0)>
module attributes {stable_mosaic.version = 14 : i64} {
  func.func @_pool_body(%arg0: i32, %arg1: i32, %arg2: memref<4096x200xi32, #tpu.memory_space<hbm>>, %arg3: memref<1000000x64xf32, #tpu.memory_space<hbm>>, %arg4: memref<4096x64xf32, #tpu.memory_space<hbm>>, %arg5: memref<128x200xi32, #tpu.memory_space<vmem>>, %arg6: memref<200x64xf32, #tpu.memory_space<vmem>>, %arg7: memref<200x64xf32, #tpu.memory_space<vmem>>, %arg8: memref<128x64xf32, #tpu.memory_space<vmem>>, %arg9: memref<!tpu.dma_semaphore, #tpu.memory_space<semaphore_mem>>, %arg10: memref<!tpu.dma_semaphore, #tpu.memory_space<semaphore_mem>>) attributes {dimension_semantics = [#tpu.dimension_semantics<core_parallel>, #tpu.dimension_semantics<subcore_parallel>], iteration_bounds = array<i64: 2, 16>, scalar_prefetch = 0 : i64, scratch_operands = 6 : i64, tpu.core_type = #tpu.core_type<sc_vector_subcore>, window_params = [{transform_indices = #map}, {transform_indices = #map}, {transform_indices = #map}]} {
    %mul3A = arith.constant 2 : i32
    %mul3A_0 = arith.muli %arg1, %mul3A : i32
    %add3A = arith.addi %mul3A_0, %arg0 : i32
    %mul3A_1 = arith.constant 128 : i32
    %mul3A_2 = arith.muli %add3A, %mul3A_1 : i32
    "tpu.region"() ({
      %run_scoped3A = tpu.sem_alloc : memref<!tpu.dma_semaphore, #tpu.memory_space<semaphore_mem>>
      %dma_start3A_27 = arith.constant 0 : i32
      %dma_start3A_28 = tpu.memref_slice %arg2[%mul3A_2, %dma_start3A_27] : memref<4096x200xi32, #tpu.memory_space<hbm>> -> memref<128x200xi32, #tpu.memory_space<hbm>>
      %dma_start3A_29 = arith.constant 0 : i32
      %dma_start3A_30 = tpu.memref_slice %arg2[%mul3A_2, %dma_start3A_29] : memref<4096x200xi32, #tpu.memory_space<hbm>> -> memref<128x200xi32, #tpu.memory_space<hbm>>
      tpu.enqueue_dma source(%dma_start3A_30 : memref<128x200xi32, #tpu.memory_space<hbm>>) target(%arg5 : memref<128x200xi32, #tpu.memory_space<vmem>>) target_semaphore(%run_scoped3A : memref<!tpu.dma_semaphore, #tpu.memory_space<semaphore_mem>>)
      %dma_wait3A = arith.constant 0 : i32
      %dma_wait3A_31 = tpu.memref_slice %arg2[%mul3A_2, %dma_wait3A] : memref<4096x200xi32, #tpu.memory_space<hbm>> -> memref<128x200xi32, #tpu.memory_space<hbm>>
      %dma_wait3A_32 = arith.constant 0 : i32
      %dma_wait3A_33 = tpu.memref_slice %arg2[%mul3A_2, %dma_wait3A_32] : memref<4096x200xi32, #tpu.memory_space<hbm>> -> memref<128x200xi32, #tpu.memory_space<hbm>>
      tpu.wait_dma2 semaphore(%run_scoped3A : memref<!tpu.dma_semaphore, #tpu.memory_space<semaphore_mem>>) src(%dma_wait3A_33 : memref<128x200xi32, #tpu.memory_space<hbm>>) dst(%arg5 : memref<128x200xi32, #tpu.memory_space<vmem>>)
      tpu.yield
    }) : () -> ()
    %dma_start3A = arith.constant 0 : i32
    %dma_start3A_3 = arith.constant 0 : i32
    %dma_start3A_4 = arith.constant 0 : i32
    %dma_start3A_5 = tpu.memref_slice %arg6[%dma_start3A_3, %dma_start3A_4] : memref<200x64xf32, #tpu.memory_space<vmem>> -> memref<128x64xf32, #tpu.memory_space<vmem>>
    %dma_start3A_6 = arith.constant 0 : i32
    %dma_start3A_7 = tpu.memref_slice %arg5[%dma_start3A, %dma_start3A_6] : memref<128x200xi32, #tpu.memory_space<vmem>> -> memref<1x128xi32, #tpu.memory_space<vmem>>
    %dma_start3A_8 = tpu.memref_squeeze %dma_start3A_7 : memref<1x128xi32, #tpu.memory_space<vmem>> -> memref<128xi32, #tpu.memory_space<vmem>>
    %dma_start3A_9 = arith.constant 0 : i32
    %dma_start3A_10 = arith.constant 0 : i32
    %dma_start3A_11 = tpu.memref_slice %arg3[%dma_start3A_9, %dma_start3A_10] : memref<1000000x64xf32, #tpu.memory_space<hbm>> -> memref<1000000x64xf32, #tpu.memory_space<hbm>>
    tpu.enqueue_indirect_dma source(%dma_start3A_11 : memref<1000000x64xf32, #tpu.memory_space<hbm>>) target(%dma_start3A_5 : memref<128x64xf32, #tpu.memory_space<vmem>>) offsets(%dma_start3A_8 : memref<128xi32, #tpu.memory_space<vmem>>) semaphore(%arg9 : memref<!tpu.dma_semaphore, #tpu.memory_space<semaphore_mem>>)
    %dma_start3A_12 = arith.constant 0 : i32
    %dma_start3A_13 = arith.constant 128 : i32
    %dma_start3A_14 = arith.constant 0 : i32
    %dma_start3A_15 = tpu.memref_slice %arg6[%dma_start3A_13, %dma_start3A_14] : memref<200x64xf32, #tpu.memory_space<vmem>> -> memref<72x64xf32, #tpu.memory_space<vmem>>
    %dma_start3A_16 = arith.constant 128 : i32
    %dma_start3A_17 = tpu.memref_slice %arg5[%dma_start3A_12, %dma_start3A_16] : memref<128x200xi32, #tpu.memory_space<vmem>> -> memref<1x72xi32, #tpu.memory_space<vmem>>
    %dma_start3A_18 = tpu.memref_squeeze %dma_start3A_17 : memref<1x72xi32, #tpu.memory_space<vmem>> -> memref<72xi32, #tpu.memory_space<vmem>>
    %dma_start3A_19 = arith.constant 0 : i32
    %dma_start3A_20 = arith.constant 0 : i32
    %dma_start3A_21 = tpu.memref_slice %arg3[%dma_start3A_19, %dma_start3A_20] : memref<1000000x64xf32, #tpu.memory_space<hbm>> -> memref<1000000x64xf32, #tpu.memory_space<hbm>>
    tpu.enqueue_indirect_dma source(%dma_start3A_21 : memref<1000000x64xf32, #tpu.memory_space<hbm>>) target(%dma_start3A_15 : memref<72x64xf32, #tpu.memory_space<vmem>>) offsets(%dma_start3A_18 : memref<72xi32, #tpu.memory_space<vmem>>) semaphore(%arg9 : memref<!tpu.dma_semaphore, #tpu.memory_space<semaphore_mem>>)
    %scan3A = arith.constant 0 : i32
    %scan3A_22 = arith.constant 0 : i32
    %scan3A_23 = arith.constant 64 : i32
    %scan3A_24 = arith.addi %scan3A_22, %scan3A_23 : i32
    %scan3A_25 = arith.constant 1 : i32
    scf.for %scan3A_27 = %scan3A_22 to %scan3A_24 step %scan3A_25  : i32 {
      %mul3A_28 = arith.constant 2 : i32
      %mul3A_29 = arith.muli %mul3A_28, %scan3A_27 : i32
      %add3A_30 = arith.constant 1 : i32
      %add3A_31 = arith.addi %mul3A_29, %add3A_30 : i32
      %dma_start3A_32 = arith.constant 0 : i32
      %dma_start3A_33 = arith.constant 0 : i32
      %dma_start3A_34 = tpu.memref_slice %arg7[%dma_start3A_32, %dma_start3A_33] : memref<200x64xf32, #tpu.memory_space<vmem>> -> memref<128x64xf32, #tpu.memory_space<vmem>>
      %dma_start3A_35 = arith.constant 0 : i32
      %dma_start3A_36 = tpu.memref_slice %arg5[%add3A_31, %dma_start3A_35] : memref<128x200xi32, #tpu.memory_space<vmem>> -> memref<1x128xi32, #tpu.memory_space<vmem>>
      %dma_start3A_37 = tpu.memref_squeeze %dma_start3A_36 : memref<1x128xi32, #tpu.memory_space<vmem>> -> memref<128xi32, #tpu.memory_space<vmem>>
      %dma_start3A_38 = arith.constant 0 : i32
      %dma_start3A_39 = arith.constant 0 : i32
      %dma_start3A_40 = tpu.memref_slice %arg3[%dma_start3A_38, %dma_start3A_39] : memref<1000000x64xf32, #tpu.memory_space<hbm>> -> memref<1000000x64xf32, #tpu.memory_space<hbm>>
      tpu.enqueue_indirect_dma source(%dma_start3A_40 : memref<1000000x64xf32, #tpu.memory_space<hbm>>) target(%dma_start3A_34 : memref<128x64xf32, #tpu.memory_space<vmem>>) offsets(%dma_start3A_37 : memref<128xi32, #tpu.memory_space<vmem>>) semaphore(%arg10 : memref<!tpu.dma_semaphore, #tpu.memory_space<semaphore_mem>>)
      %dma_start3A_41 = arith.constant 128 : i32
      %dma_start3A_42 = arith.constant 0 : i32
      %dma_start3A_43 = tpu.memref_slice %arg7[%dma_start3A_41, %dma_start3A_42] : memref<200x64xf32, #tpu.memory_space<vmem>> -> memref<72x64xf32, #tpu.memory_space<vmem>>
      %dma_start3A_44 = arith.constant 128 : i32
      %dma_start3A_45 = tpu.memref_slice %arg5[%add3A_31, %dma_start3A_44] : memref<128x200xi32, #tpu.memory_space<vmem>> -> memref<1x72xi32, #tpu.memory_space<vmem>>
      %dma_start3A_46 = tpu.memref_squeeze %dma_start3A_45 : memref<1x72xi32, #tpu.memory_space<vmem>> -> memref<72xi32, #tpu.memory_space<vmem>>
      %dma_start3A_47 = arith.constant 0 : i32
      %dma_start3A_48 = arith.constant 0 : i32
      %dma_start3A_49 = tpu.memref_slice %arg3[%dma_start3A_47, %dma_start3A_48] : memref<1000000x64xf32, #tpu.memory_space<hbm>> -> memref<1000000x64xf32, #tpu.memory_space<hbm>>
      tpu.enqueue_indirect_dma source(%dma_start3A_49 : memref<1000000x64xf32, #tpu.memory_space<hbm>>) target(%dma_start3A_43 : memref<72x64xf32, #tpu.memory_space<vmem>>) offsets(%dma_start3A_46 : memref<72xi32, #tpu.memory_space<vmem>>) semaphore(%arg10 : memref<!tpu.dma_semaphore, #tpu.memory_space<semaphore_mem>>)
      %dma_wait3A = arith.constant 0 : i32
      %dma_wait3A_50 = arith.constant 0 : i32
      %dma_wait3A_51 = tpu.memref_slice %arg3[%dma_wait3A, %dma_wait3A_50] : memref<1000000x64xf32, #tpu.memory_space<hbm>> -> memref<200x64xf32, #tpu.memory_space<hbm>>
      %dma_wait3A_52 = arith.constant 0 : i32
      %dma_wait3A_53 = arith.constant 0 : i32
      %dma_wait3A_54 = tpu.memref_slice %arg3[%dma_wait3A_52, %dma_wait3A_53] : memref<1000000x64xf32, #tpu.memory_space<hbm>> -> memref<200x64xf32, #tpu.memory_space<hbm>>
      tpu.wait_dma2 semaphore(%arg9 : memref<!tpu.dma_semaphore, #tpu.memory_space<semaphore_mem>>) src(%dma_wait3A_54 : memref<200x64xf32, #tpu.memory_space<hbm>>) dst(%arg6 : memref<200x64xf32, #tpu.memory_space<vmem>>)
      %broadcast_in_dim3A = arith.constant 0.000000e+00 : f32
      %broadcast_in_dim3A_55 = vector.broadcast %broadcast_in_dim3A : f32 to vector<16xf32>
      %scan3A_56 = arith.constant 0 : i32
      %scan3A_57 = arith.constant 200 : i32
      %scan3A_58 = arith.addi %scan3A_56, %scan3A_57 : i32
      %scan3A_59 = arith.constant 8 : i32
      %scan3A_60:4 = scf.for %scan3A_119 = %scan3A_56 to %scan3A_58 step %scan3A_59 iter_args(%scan3A_120 = %broadcast_in_dim3A_55, %scan3A_121 = %broadcast_in_dim3A_55, %scan3A_122 = %broadcast_in_dim3A_55, %scan3A_123 = %broadcast_in_dim3A_55) -> (vector<16xf32>, vector<16xf32>, vector<16xf32>, vector<16xf32>)  : i32 {
        %get3A = arith.index_cast %scan3A_119 : i32 to index
        %get3A_124 = arith.constant 0 : index
        %get3A_125 = tpu.vector_load %arg6[%get3A, %get3A_124] {strides = array<i32>} : memref<200x64xf32, #tpu.memory_space<vmem>>, vector<1x16xf32>,
        %get3A_126 = vector.shape_cast %get3A_125 : vector<1x16xf32> to vector<16xf32>
        %add3A_127 = arith.addf %scan3A_120, %get3A_126 : vector<16xf32>
        %get3A_128 = arith.index_cast %scan3A_119 : i32 to index
        %get3A_129 = arith.constant 16 : index
        %get3A_130 = tpu.vector_load %arg6[%get3A_128, %get3A_129] {strides = array<i32>} : memref<200x64xf32, #tpu.memory_space<vmem>>, vector<1x16xf32>,
        %get3A_131 = vector.shape_cast %get3A_130 : vector<1x16xf32> to vector<16xf32>
        %add3A_132 = arith.addf %scan3A_121, %get3A_131 : vector<16xf32>
        %get3A_133 = arith.index_cast %scan3A_119 : i32 to index
        %get3A_134 = arith.constant 32 : index
        %get3A_135 = tpu.vector_load %arg6[%get3A_133, %get3A_134] {strides = array<i32>} : memref<200x64xf32, #tpu.memory_space<vmem>>, vector<1x16xf32>,
        %get3A_136 = vector.shape_cast %get3A_135 : vector<1x16xf32> to vector<16xf32>
        %add3A_137 = arith.addf %scan3A_122, %get3A_136 : vector<16xf32>
        %get3A_138 = arith.index_cast %scan3A_119 : i32 to index
        %get3A_139 = arith.constant 48 : index
        %get3A_140 = tpu.vector_load %arg6[%get3A_138, %get3A_139] {strides = array<i32>} : memref<200x64xf32, #tpu.memory_space<vmem>>, vector<1x16xf32>,
        %get3A_141 = vector.shape_cast %get3A_140 : vector<1x16xf32> to vector<16xf32>
        %add3A_142 = arith.addf %scan3A_123, %get3A_141 : vector<16xf32>
        %scan3A_143 = arith.constant 1 : i32
        %scan3A_144 = arith.addi %scan3A_119, %scan3A_143 : i32
        %get3A_145 = arith.index_cast %scan3A_144 : i32 to index
        %get3A_146 = arith.constant 0 : index
        %get3A_147 = tpu.vector_load %arg6[%get3A_145, %get3A_146] {strides = array<i32>} : memref<200x64xf32, #tpu.memory_space<vmem>>, vector<1x16xf32>,
        %get3A_148 = vector.shape_cast %get3A_147 : vector<1x16xf32> to vector<16xf32>
        %add3A_149 = arith.addf %add3A_127, %get3A_148 : vector<16xf32>
        %get3A_150 = arith.index_cast %scan3A_144 : i32 to index
        %get3A_151 = arith.constant 16 : index
        %get3A_152 = tpu.vector_load %arg6[%get3A_150, %get3A_151] {strides = array<i32>} : memref<200x64xf32, #tpu.memory_space<vmem>>, vector<1x16xf32>,
        %get3A_153 = vector.shape_cast %get3A_152 : vector<1x16xf32> to vector<16xf32>
        %add3A_154 = arith.addf %add3A_132, %get3A_153 : vector<16xf32>
        %get3A_155 = arith.index_cast %scan3A_144 : i32 to index
        %get3A_156 = arith.constant 32 : index
        %get3A_157 = tpu.vector_load %arg6[%get3A_155, %get3A_156] {strides = array<i32>} : memref<200x64xf32, #tpu.memory_space<vmem>>, vector<1x16xf32>,
        %get3A_158 = vector.shape_cast %get3A_157 : vector<1x16xf32> to vector<16xf32>
        %add3A_159 = arith.addf %add3A_137, %get3A_158 : vector<16xf32>
        %get3A_160 = arith.index_cast %scan3A_144 : i32 to index
        %get3A_161 = arith.constant 48 : index
        %get3A_162 = tpu.vector_load %arg6[%get3A_160, %get3A_161] {strides = array<i32>} : memref<200x64xf32, #tpu.memory_space<vmem>>, vector<1x16xf32>,
        %get3A_163 = vector.shape_cast %get3A_162 : vector<1x16xf32> to vector<16xf32>
        %add3A_164 = arith.addf %add3A_142, %get3A_163 : vector<16xf32>
        %scan3A_165 = arith.constant 2 : i32
        %scan3A_166 = arith.addi %scan3A_119, %scan3A_165 : i32
        %get3A_167 = arith.index_cast %scan3A_166 : i32 to index
        %get3A_168 = arith.constant 0 : index
        %get3A_169 = tpu.vector_load %arg6[%get3A_167, %get3A_168] {strides = array<i32>} : memref<200x64xf32, #tpu.memory_space<vmem>>, vector<1x16xf32>,
        %get3A_170 = vector.shape_cast %get3A_169 : vector<1x16xf32> to vector<16xf32>
        %add3A_171 = arith.addf %add3A_149, %get3A_170 : vector<16xf32>
        %get3A_172 = arith.index_cast %scan3A_166 : i32 to index
        %get3A_173 = arith.constant 16 : index
        %get3A_174 = tpu.vector_load %arg6[%get3A_172, %get3A_173] {strides = array<i32>} : memref<200x64xf32, #tpu.memory_space<vmem>>, vector<1x16xf32>,
        %get3A_175 = vector.shape_cast %get3A_174 : vector<1x16xf32> to vector<16xf32>
        %add3A_176 = arith.addf %add3A_154, %get3A_175 : vector<16xf32>
        %get3A_177 = arith.index_cast %scan3A_166 : i32 to index
        %get3A_178 = arith.constant 32 : index
        %get3A_179 = tpu.vector_load %arg6[%get3A_177, %get3A_178] {strides = array<i32>} : memref<200x64xf32, #tpu.memory_space<vmem>>, vector<1x16xf32>,
        %get3A_180 = vector.shape_cast %get3A_179 : vector<1x16xf32> to vector<16xf32>
        %add3A_181 = arith.addf %add3A_159, %get3A_180 : vector<16xf32>
        %get3A_182 = arith.index_cast %scan3A_166 : i32 to index
        %get3A_183 = arith.constant 48 : index
        %get3A_184 = tpu.vector_load %arg6[%get3A_182, %get3A_183] {strides = array<i32>} : memref<200x64xf32, #tpu.memory_space<vmem>>, vector<1x16xf32>,
        %get3A_185 = vector.shape_cast %get3A_184 : vector<1x16xf32> to vector<16xf32>
        %add3A_186 = arith.addf %add3A_164, %get3A_185 : vector<16xf32>
        %scan3A_187 = arith.constant 3 : i32
        %scan3A_188 = arith.addi %scan3A_119, %scan3A_187 : i32
        %get3A_189 = arith.index_cast %scan3A_188 : i32 to index
        %get3A_190 = arith.constant 0 : index
        %get3A_191 = tpu.vector_load %arg6[%get3A_189, %get3A_190] {strides = array<i32>} : memref<200x64xf32, #tpu.memory_space<vmem>>, vector<1x16xf32>,
        %get3A_192 = vector.shape_cast %get3A_191 : vector<1x16xf32> to vector<16xf32>
        %add3A_193 = arith.addf %add3A_171, %get3A_192 : vector<16xf32>
        %get3A_194 = arith.index_cast %scan3A_188 : i32 to index
        %get3A_195 = arith.constant 16 : index
        %get3A_196 = tpu.vector_load %arg6[%get3A_194, %get3A_195] {strides = array<i32>} : memref<200x64xf32, #tpu.memory_space<vmem>>, vector<1x16xf32>,
        %get3A_197 = vector.shape_cast %get3A_196 : vector<1x16xf32> to vector<16xf32>
        %add3A_198 = arith.addf %add3A_176, %get3A_197 : vector<16xf32>
        %get3A_199 = arith.index_cast %scan3A_188 : i32 to index
        %get3A_200 = arith.constant 32 : index
        %get3A_201 = tpu.vector_load %arg6[%get3A_199, %get3A_200] {strides = array<i32>} : memref<200x64xf32, #tpu.memory_space<vmem>>, vector<1x16xf32>,
        %get3A_202 = vector.shape_cast %get3A_201 : vector<1x16xf32> to vector<16xf32>
        %add3A_203 = arith.addf %add3A_181, %get3A_202 : vector<16xf32>
        %get3A_204 = arith.index_cast %scan3A_188 : i32 to index
        %get3A_205 = arith.constant 48 : index
        %get3A_206 = tpu.vector_load %arg6[%get3A_204, %get3A_205] {strides = array<i32>} : memref<200x64xf32, #tpu.memory_space<vmem>>, vector<1x16xf32>,
        %get3A_207 = vector.shape_cast %get3A_206 : vector<1x16xf32> to vector<16xf32>
        %add3A_208 = arith.addf %add3A_186, %get3A_207 : vector<16xf32>
        %scan3A_209 = arith.constant 4 : i32
        %scan3A_210 = arith.addi %scan3A_119, %scan3A_209 : i32
        %get3A_211 = arith.index_cast %scan3A_210 : i32 to index
        %get3A_212 = arith.constant 0 : index
        %get3A_213 = tpu.vector_load %arg6[%get3A_211, %get3A_212] {strides = array<i32>} : memref<200x64xf32, #tpu.memory_space<vmem>>, vector<1x16xf32>,
        %get3A_214 = vector.shape_cast %get3A_213 : vector<1x16xf32> to vector<16xf32>
        %add3A_215 = arith.addf %add3A_193, %get3A_214 : vector<16xf32>
        %get3A_216 = arith.index_cast %scan3A_210 : i32 to index
        %get3A_217 = arith.constant 16 : index
        %get3A_218 = tpu.vector_load %arg6[%get3A_216, %get3A_217] {strides = array<i32>} : memref<200x64xf32, #tpu.memory_space<vmem>>, vector<1x16xf32>,
        %get3A_219 = vector.shape_cast %get3A_218 : vector<1x16xf32> to vector<16xf32>
        %add3A_220 = arith.addf %add3A_198, %get3A_219 : vector<16xf32>
        %get3A_221 = arith.index_cast %scan3A_210 : i32 to index
        %get3A_222 = arith.constant 32 : index
        %get3A_223 = tpu.vector_load %arg6[%get3A_221, %get3A_222] {strides = array<i32>} : memref<200x64xf32, #tpu.memory_space<vmem>>, vector<1x16xf32>,
        %get3A_224 = vector.shape_cast %get3A_223 : vector<1x16xf32> to vector<16xf32>
        %add3A_225 = arith.addf %add3A_203, %get3A_224 : vector<16xf32>
        %get3A_226 = arith.index_cast %scan3A_210 : i32 to index
        %get3A_227 = arith.constant 48 : index
        %get3A_228 = tpu.vector_load %arg6[%get3A_226, %get3A_227] {strides = array<i32>} : memref<200x64xf32, #tpu.memory_space<vmem>>, vector<1x16xf32>,
        %get3A_229 = vector.shape_cast %get3A_228 : vector<1x16xf32> to vector<16xf32>
        %add3A_230 = arith.addf %add3A_208, %get3A_229 : vector<16xf32>
        %scan3A_231 = arith.constant 5 : i32
        %scan3A_232 = arith.addi %scan3A_119, %scan3A_231 : i32
        %get3A_233 = arith.index_cast %scan3A_232 : i32 to index
        %get3A_234 = arith.constant 0 : index
        %get3A_235 = tpu.vector_load %arg6[%get3A_233, %get3A_234] {strides = array<i32>} : memref<200x64xf32, #tpu.memory_space<vmem>>, vector<1x16xf32>,
        %get3A_236 = vector.shape_cast %get3A_235 : vector<1x16xf32> to vector<16xf32>
        %add3A_237 = arith.addf %add3A_215, %get3A_236 : vector<16xf32>
        %get3A_238 = arith.index_cast %scan3A_232 : i32 to index
        %get3A_239 = arith.constant 16 : index
        %get3A_240 = tpu.vector_load %arg6[%get3A_238, %get3A_239] {strides = array<i32>} : memref<200x64xf32, #tpu.memory_space<vmem>>, vector<1x16xf32>,
        %get3A_241 = vector.shape_cast %get3A_240 : vector<1x16xf32> to vector<16xf32>
        %add3A_242 = arith.addf %add3A_220, %get3A_241 : vector<16xf32>
        %get3A_243 = arith.index_cast %scan3A_232 : i32 to index
        %get3A_244 = arith.constant 32 : index
        %get3A_245 = tpu.vector_load %arg6[%get3A_243, %get3A_244] {strides = array<i32>} : memref<200x64xf32, #tpu.memory_space<vmem>>, vector<1x16xf32>,
        %get3A_246 = vector.shape_cast %get3A_245 : vector<1x16xf32> to vector<16xf32>
        %add3A_247 = arith.addf %add3A_225, %get3A_246 : vector<16xf32>
        %get3A_248 = arith.index_cast %scan3A_232 : i32 to index
        %get3A_249 = arith.constant 48 : index
        %get3A_250 = tpu.vector_load %arg6[%get3A_248, %get3A_249] {strides = array<i32>} : memref<200x64xf32, #tpu.memory_space<vmem>>, vector<1x16xf32>,
        %get3A_251 = vector.shape_cast %get3A_250 : vector<1x16xf32> to vector<16xf32>
        %add3A_252 = arith.addf %add3A_230, %get3A_251 : vector<16xf32>
        %scan3A_253 = arith.constant 6 : i32
        %scan3A_254 = arith.addi %scan3A_119, %scan3A_253 : i32
        %get3A_255 = arith.index_cast %scan3A_254 : i32 to index
        %get3A_256 = arith.constant 0 : index
        %get3A_257 = tpu.vector_load %arg6[%get3A_255, %get3A_256] {strides = array<i32>} : memref<200x64xf32, #tpu.memory_space<vmem>>, vector<1x16xf32>,
        %get3A_258 = vector.shape_cast %get3A_257 : vector<1x16xf32> to vector<16xf32>
        %add3A_259 = arith.addf %add3A_237, %get3A_258 : vector<16xf32>
        %get3A_260 = arith.index_cast %scan3A_254 : i32 to index
        %get3A_261 = arith.constant 16 : index
        %get3A_262 = tpu.vector_load %arg6[%get3A_260, %get3A_261] {strides = array<i32>} : memref<200x64xf32, #tpu.memory_space<vmem>>, vector<1x16xf32>,
        %get3A_263 = vector.shape_cast %get3A_262 : vector<1x16xf32> to vector<16xf32>
        %add3A_264 = arith.addf %add3A_242, %get3A_263 : vector<16xf32>
        %get3A_265 = arith.index_cast %scan3A_254 : i32 to index
        %get3A_266 = arith.constant 32 : index
        %get3A_267 = tpu.vector_load %arg6[%get3A_265, %get3A_266] {strides = array<i32>} : memref<200x64xf32, #tpu.memory_space<vmem>>, vector<1x16xf32>,
        %get3A_268 = vector.shape_cast %get3A_267 : vector<1x16xf32> to vector<16xf32>
        %add3A_269 = arith.addf %add3A_247, %get3A_268 : vector<16xf32>
        %get3A_270 = arith.index_cast %scan3A_254 : i32 to index
        %get3A_271 = arith.constant 48 : index
        %get3A_272 = tpu.vector_load %arg6[%get3A_270, %get3A_271] {strides = array<i32>} : memref<200x64xf32, #tpu.memory_space<vmem>>, vector<1x16xf32>,
        %get3A_273 = vector.shape_cast %get3A_272 : vector<1x16xf32> to vector<16xf32>
        %add3A_274 = arith.addf %add3A_252, %get3A_273 : vector<16xf32>
        %scan3A_275 = arith.constant 7 : i32
        %scan3A_276 = arith.addi %scan3A_119, %scan3A_275 : i32
        %get3A_277 = arith.index_cast %scan3A_276 : i32 to index
        %get3A_278 = arith.constant 0 : index
        %get3A_279 = tpu.vector_load %arg6[%get3A_277, %get3A_278] {strides = array<i32>} : memref<200x64xf32, #tpu.memory_space<vmem>>, vector<1x16xf32>,
        %get3A_280 = vector.shape_cast %get3A_279 : vector<1x16xf32> to vector<16xf32>
        %add3A_281 = arith.addf %add3A_259, %get3A_280 : vector<16xf32>
        %get3A_282 = arith.index_cast %scan3A_276 : i32 to index
        %get3A_283 = arith.constant 16 : index
        %get3A_284 = tpu.vector_load %arg6[%get3A_282, %get3A_283] {strides = array<i32>} : memref<200x64xf32, #tpu.memory_space<vmem>>, vector<1x16xf32>,
        %get3A_285 = vector.shape_cast %get3A_284 : vector<1x16xf32> to vector<16xf32>
        %add3A_286 = arith.addf %add3A_264, %get3A_285 : vector<16xf32>
        %get3A_287 = arith.index_cast %scan3A_276 : i32 to index
        %get3A_288 = arith.constant 32 : index
        %get3A_289 = tpu.vector_load %arg6[%get3A_287, %get3A_288] {strides = array<i32>} : memref<200x64xf32, #tpu.memory_space<vmem>>, vector<1x16xf32>,
        %get3A_290 = vector.shape_cast %get3A_289 : vector<1x16xf32> to vector<16xf32>
        %add3A_291 = arith.addf %add3A_269, %get3A_290 : vector<16xf32>
        %get3A_292 = arith.index_cast %scan3A_276 : i32 to index
        %get3A_293 = arith.constant 48 : index
        %get3A_294 = tpu.vector_load %arg6[%get3A_292, %get3A_293] {strides = array<i32>} : memref<200x64xf32, #tpu.memory_space<vmem>>, vector<1x16xf32>,
        %get3A_295 = vector.shape_cast %get3A_294 : vector<1x16xf32> to vector<16xf32>
        %add3A_296 = arith.addf %add3A_274, %get3A_295 : vector<16xf32>
        scf.yield %add3A_281, %add3A_286, %add3A_291, %add3A_296 : vector<16xf32>, vector<16xf32>, vector<16xf32>, vector<16xf32>
      }
      %scan3A_61 = arith.constant 200 : i32
      %swap3A = arith.index_cast %mul3A_29 : i32 to index
      %swap3A_62 = arith.constant 0 : index
      %swap3A_63 = tpu.vector_load %arg8[%swap3A, %swap3A_62] {strides = array<i32>} : memref<128x64xf32, #tpu.memory_space<vmem>>, vector<1x16xf32>,
      %swap3A_64 = vector.shape_cast %swap3A_63 : vector<1x16xf32> to vector<16xf32>
      %swap3A_65 = vector.shape_cast %scan3A_60#0 : vector<16xf32> to vector<1x16xf32>
      tpu.vector_store %arg8[%swap3A, %swap3A_62], %swap3A_65 {strides = array<i32>} : memref<128x64xf32, #tpu.memory_space<vmem>>, vector<1x16xf32>,
      %swap3A_66 = arith.index_cast %mul3A_29 : i32 to index
      %swap3A_67 = arith.constant 16 : index
      %swap3A_68 = tpu.vector_load %arg8[%swap3A_66, %swap3A_67] {strides = array<i32>} : memref<128x64xf32, #tpu.memory_space<vmem>>, vector<1x16xf32>,
      %swap3A_69 = vector.shape_cast %swap3A_68 : vector<1x16xf32> to vector<16xf32>
      %swap3A_70 = vector.shape_cast %scan3A_60#1 : vector<16xf32> to vector<1x16xf32>
      tpu.vector_store %arg8[%swap3A_66, %swap3A_67], %swap3A_70 {strides = array<i32>} : memref<128x64xf32, #tpu.memory_space<vmem>>, vector<1x16xf32>,
      %swap3A_71 = arith.index_cast %mul3A_29 : i32 to index
      %swap3A_72 = arith.constant 32 : index
      %swap3A_73 = tpu.vector_load %arg8[%swap3A_71, %swap3A_72] {strides = array<i32>} : memref<128x64xf32, #tpu.memory_space<vmem>>, vector<1x16xf32>,
      %swap3A_74 = vector.shape_cast %swap3A_73 : vector<1x16xf32> to vector<16xf32>
      %swap3A_75 = vector.shape_cast %scan3A_60#2 : vector<16xf32> to vector<1x16xf32>
      tpu.vector_store %arg8[%swap3A_71, %swap3A_72], %swap3A_75 {strides = array<i32>} : memref<128x64xf32, #tpu.memory_space<vmem>>, vector<1x16xf32>,
      %swap3A_76 = arith.index_cast %mul3A_29 : i32 to index
      %swap3A_77 = arith.constant 48 : index
      %swap3A_78 = tpu.vector_load %arg8[%swap3A_76, %swap3A_77] {strides = array<i32>} : memref<128x64xf32, #tpu.memory_space<vmem>>, vector<1x16xf32>,
      %swap3A_79 = vector.shape_cast %swap3A_78 : vector<1x16xf32> to vector<16xf32>
      %swap3A_80 = vector.shape_cast %scan3A_60#3 : vector<16xf32> to vector<1x16xf32>
      tpu.vector_store %arg8[%swap3A_76, %swap3A_77], %swap3A_80 {strides = array<i32>} : memref<128x64xf32, #tpu.memory_space<vmem>>, vector<1x16xf32>,
      %lt3A = arith.constant 63 : i32
      %lt3A_81 = arith.cmpi slt, %scan3A_27, %lt3A : i32
      %convert_element_type3A = arith.extui %lt3A_81 : i1 to i32
      %cond3A = arith.constant 0 : i32
      %cond3A_82 = arith.cmpi ne, %convert_element_type3A, %cond3A : i32
      scf.if %cond3A_82 {
        %add3A_119 = arith.constant 2 : i32
        %add3A_120 = arith.addi %mul3A_29, %add3A_119 : i32
        %dma_start3A_121 = arith.constant 0 : i32
        %dma_start3A_122 = arith.constant 0 : i32
        %dma_start3A_123 = tpu.memref_slice %arg6[%dma_start3A_121, %dma_start3A_122] : memref<200x64xf32, #tpu.memory_space<vmem>> -> memref<128x64xf32, #tpu.memory_space<vmem>>
        %dma_start3A_124 = arith.constant 0 : i32
        %dma_start3A_125 = tpu.memref_slice %arg5[%add3A_120, %dma_start3A_124] : memref<128x200xi32, #tpu.memory_space<vmem>> -> memref<1x128xi32, #tpu.memory_space<vmem>>
        %dma_start3A_126 = tpu.memref_squeeze %dma_start3A_125 : memref<1x128xi32, #tpu.memory_space<vmem>> -> memref<128xi32, #tpu.memory_space<vmem>>
        %dma_start3A_127 = arith.constant 0 : i32
        %dma_start3A_128 = arith.constant 0 : i32
        %dma_start3A_129 = tpu.memref_slice %arg3[%dma_start3A_127, %dma_start3A_128] : memref<1000000x64xf32, #tpu.memory_space<hbm>> -> memref<1000000x64xf32, #tpu.memory_space<hbm>>
        tpu.enqueue_indirect_dma source(%dma_start3A_129 : memref<1000000x64xf32, #tpu.memory_space<hbm>>) target(%dma_start3A_123 : memref<128x64xf32, #tpu.memory_space<vmem>>) offsets(%dma_start3A_126 : memref<128xi32, #tpu.memory_space<vmem>>) semaphore(%arg9 : memref<!tpu.dma_semaphore, #tpu.memory_space<semaphore_mem>>)
        %dma_start3A_130 = arith.constant 128 : i32
        %dma_start3A_131 = arith.constant 0 : i32
        %dma_start3A_132 = tpu.memref_slice %arg6[%dma_start3A_130, %dma_start3A_131] : memref<200x64xf32, #tpu.memory_space<vmem>> -> memref<72x64xf32, #tpu.memory_space<vmem>>
        %dma_start3A_133 = arith.constant 128 : i32
        %dma_start3A_134 = tpu.memref_slice %arg5[%add3A_120, %dma_start3A_133] : memref<128x200xi32, #tpu.memory_space<vmem>> -> memref<1x72xi32, #tpu.memory_space<vmem>>
        %dma_start3A_135 = tpu.memref_squeeze %dma_start3A_134 : memref<1x72xi32, #tpu.memory_space<vmem>> -> memref<72xi32, #tpu.memory_space<vmem>>
        %dma_start3A_136 = arith.constant 0 : i32
        %dma_start3A_137 = arith.constant 0 : i32
        %dma_start3A_138 = tpu.memref_slice %arg3[%dma_start3A_136, %dma_start3A_137] : memref<1000000x64xf32, #tpu.memory_space<hbm>> -> memref<1000000x64xf32, #tpu.memory_space<hbm>>
        tpu.enqueue_indirect_dma source(%dma_start3A_138 : memref<1000000x64xf32, #tpu.memory_space<hbm>>) target(%dma_start3A_132 : memref<72x64xf32, #tpu.memory_space<vmem>>) offsets(%dma_start3A_135 : memref<72xi32, #tpu.memory_space<vmem>>) semaphore(%arg9 : memref<!tpu.dma_semaphore, #tpu.memory_space<semaphore_mem>>)
      } else {
      }
      %dma_wait3A_83 = arith.constant 0 : i32
      %dma_wait3A_84 = arith.constant 0 : i32
      %dma_wait3A_85 = tpu.memref_slice %arg3[%dma_wait3A_83, %dma_wait3A_84] : memref<1000000x64xf32, #tpu.memory_space<hbm>> -> memref<200x64xf32, #tpu.memory_space<hbm>>
      %dma_wait3A_86 = arith.constant 0 : i32
      %dma_wait3A_87 = arith.constant 0 : i32
      %dma_wait3A_88 = tpu.memref_slice %arg3[%dma_wait3A_86, %dma_wait3A_87] : memref<1000000x64xf32, #tpu.memory_space<hbm>> -> memref<200x64xf32, #tpu.memory_space<hbm>>
      tpu.wait_dma2 semaphore(%arg10 : memref<!tpu.dma_semaphore, #tpu.memory_space<semaphore_mem>>) src(%dma_wait3A_88 : memref<200x64xf32, #tpu.memory_space<hbm>>) dst(%arg7 : memref<200x64xf32, #tpu.memory_space<vmem>>)
      %add3A_89 = arith.constant 1 : i32
      %add3A_90 = arith.addi %mul3A_29, %add3A_89 : i32
      %broadcast_in_dim3A_91 = arith.constant 0.000000e+00 : f32
      %broadcast_in_dim3A_92 = vector.broadcast %broadcast_in_dim3A_91 : f32 to vector<16xf32>
      %scan3A_93 = arith.constant 0 : i32
      %scan3A_94 = arith.constant 200 : i32
      %scan3A_95 = arith.addi %scan3A_93, %scan3A_94 : i32
      %scan3A_96 = arith.constant 8 : i32
      %scan3A_97:4 = scf.for %scan3A_119 = %scan3A_93 to %scan3A_95 step %scan3A_96 iter_args(%scan3A_120 = %broadcast_in_dim3A_92, %scan3A_121 = %broadcast_in_dim3A_92, %scan3A_122 = %broadcast_in_dim3A_92, %scan3A_123 = %broadcast_in_dim3A_92) -> (vector<16xf32>, vector<16xf32>, vector<16xf32>, vector<16xf32>)  : i32 {
        %get3A = arith.index_cast %scan3A_119 : i32 to index
        %get3A_124 = arith.constant 0 : index
        %get3A_125 = tpu.vector_load %arg7[%get3A, %get3A_124] {strides = array<i32>} : memref<200x64xf32, #tpu.memory_space<vmem>>, vector<1x16xf32>,
        %get3A_126 = vector.shape_cast %get3A_125 : vector<1x16xf32> to vector<16xf32>
        %add3A_127 = arith.addf %scan3A_120, %get3A_126 : vector<16xf32>
        %get3A_128 = arith.index_cast %scan3A_119 : i32 to index
        %get3A_129 = arith.constant 16 : index
        %get3A_130 = tpu.vector_load %arg7[%get3A_128, %get3A_129] {strides = array<i32>} : memref<200x64xf32, #tpu.memory_space<vmem>>, vector<1x16xf32>,
        %get3A_131 = vector.shape_cast %get3A_130 : vector<1x16xf32> to vector<16xf32>
        %add3A_132 = arith.addf %scan3A_121, %get3A_131 : vector<16xf32>
        %get3A_133 = arith.index_cast %scan3A_119 : i32 to index
        %get3A_134 = arith.constant 32 : index
        %get3A_135 = tpu.vector_load %arg7[%get3A_133, %get3A_134] {strides = array<i32>} : memref<200x64xf32, #tpu.memory_space<vmem>>, vector<1x16xf32>,
        %get3A_136 = vector.shape_cast %get3A_135 : vector<1x16xf32> to vector<16xf32>
        %add3A_137 = arith.addf %scan3A_122, %get3A_136 : vector<16xf32>
        %get3A_138 = arith.index_cast %scan3A_119 : i32 to index
        %get3A_139 = arith.constant 48 : index
        %get3A_140 = tpu.vector_load %arg7[%get3A_138, %get3A_139] {strides = array<i32>} : memref<200x64xf32, #tpu.memory_space<vmem>>, vector<1x16xf32>,
        %get3A_141 = vector.shape_cast %get3A_140 : vector<1x16xf32> to vector<16xf32>
        %add3A_142 = arith.addf %scan3A_123, %get3A_141 : vector<16xf32>
        %scan3A_143 = arith.constant 1 : i32
        %scan3A_144 = arith.addi %scan3A_119, %scan3A_143 : i32
        %get3A_145 = arith.index_cast %scan3A_144 : i32 to index
        %get3A_146 = arith.constant 0 : index
        %get3A_147 = tpu.vector_load %arg7[%get3A_145, %get3A_146] {strides = array<i32>} : memref<200x64xf32, #tpu.memory_space<vmem>>, vector<1x16xf32>,
        %get3A_148 = vector.shape_cast %get3A_147 : vector<1x16xf32> to vector<16xf32>
        %add3A_149 = arith.addf %add3A_127, %get3A_148 : vector<16xf32>
        %get3A_150 = arith.index_cast %scan3A_144 : i32 to index
        %get3A_151 = arith.constant 16 : index
        %get3A_152 = tpu.vector_load %arg7[%get3A_150, %get3A_151] {strides = array<i32>} : memref<200x64xf32, #tpu.memory_space<vmem>>, vector<1x16xf32>,
        %get3A_153 = vector.shape_cast %get3A_152 : vector<1x16xf32> to vector<16xf32>
        %add3A_154 = arith.addf %add3A_132, %get3A_153 : vector<16xf32>
        %get3A_155 = arith.index_cast %scan3A_144 : i32 to index
        %get3A_156 = arith.constant 32 : index
        %get3A_157 = tpu.vector_load %arg7[%get3A_155, %get3A_156] {strides = array<i32>} : memref<200x64xf32, #tpu.memory_space<vmem>>, vector<1x16xf32>,
        %get3A_158 = vector.shape_cast %get3A_157 : vector<1x16xf32> to vector<16xf32>
        %add3A_159 = arith.addf %add3A_137, %get3A_158 : vector<16xf32>
        %get3A_160 = arith.index_cast %scan3A_144 : i32 to index
        %get3A_161 = arith.constant 48 : index
        %get3A_162 = tpu.vector_load %arg7[%get3A_160, %get3A_161] {strides = array<i32>} : memref<200x64xf32, #tpu.memory_space<vmem>>, vector<1x16xf32>,
        %get3A_163 = vector.shape_cast %get3A_162 : vector<1x16xf32> to vector<16xf32>
        %add3A_164 = arith.addf %add3A_142, %get3A_163 : vector<16xf32>
        %scan3A_165 = arith.constant 2 : i32
        %scan3A_166 = arith.addi %scan3A_119, %scan3A_165 : i32
        %get3A_167 = arith.index_cast %scan3A_166 : i32 to index
        %get3A_168 = arith.constant 0 : index
        %get3A_169 = tpu.vector_load %arg7[%get3A_167, %get3A_168] {strides = array<i32>} : memref<200x64xf32, #tpu.memory_space<vmem>>, vector<1x16xf32>,
        %get3A_170 = vector.shape_cast %get3A_169 : vector<1x16xf32> to vector<16xf32>
        %add3A_171 = arith.addf %add3A_149, %get3A_170 : vector<16xf32>
        %get3A_172 = arith.index_cast %scan3A_166 : i32 to index
        %get3A_173 = arith.constant 16 : index
        %get3A_174 = tpu.vector_load %arg7[%get3A_172, %get3A_173] {strides = array<i32>} : memref<200x64xf32, #tpu.memory_space<vmem>>, vector<1x16xf32>,
        %get3A_175 = vector.shape_cast %get3A_174 : vector<1x16xf32> to vector<16xf32>
        %add3A_176 = arith.addf %add3A_154, %get3A_175 : vector<16xf32>
        %get3A_177 = arith.index_cast %scan3A_166 : i32 to index
        %get3A_178 = arith.constant 32 : index
        %get3A_179 = tpu.vector_load %arg7[%get3A_177, %get3A_178] {strides = array<i32>} : memref<200x64xf32, #tpu.memory_space<vmem>>, vector<1x16xf32>,
        %get3A_180 = vector.shape_cast %get3A_179 : vector<1x16xf32> to vector<16xf32>
        %add3A_181 = arith.addf %add3A_159, %get3A_180 : vector<16xf32>
        %get3A_182 = arith.index_cast %scan3A_166 : i32 to index
        %get3A_183 = arith.constant 48 : index
        %get3A_184 = tpu.vector_load %arg7[%get3A_182, %get3A_183] {strides = array<i32>} : memref<200x64xf32, #tpu.memory_space<vmem>>, vector<1x16xf32>,
        %get3A_185 = vector.shape_cast %get3A_184 : vector<1x16xf32> to vector<16xf32>
        %add3A_186 = arith.addf %add3A_164, %get3A_185 : vector<16xf32>
        %scan3A_187 = arith.constant 3 : i32
        %scan3A_188 = arith.addi %scan3A_119, %scan3A_187 : i32
        %get3A_189 = arith.index_cast %scan3A_188 : i32 to index
        %get3A_190 = arith.constant 0 : index
        %get3A_191 = tpu.vector_load %arg7[%get3A_189, %get3A_190] {strides = array<i32>} : memref<200x64xf32, #tpu.memory_space<vmem>>, vector<1x16xf32>,
        %get3A_192 = vector.shape_cast %get3A_191 : vector<1x16xf32> to vector<16xf32>
        %add3A_193 = arith.addf %add3A_171, %get3A_192 : vector<16xf32>
        %get3A_194 = arith.index_cast %scan3A_188 : i32 to index
        %get3A_195 = arith.constant 16 : index
        %get3A_196 = tpu.vector_load %arg7[%get3A_194, %get3A_195] {strides = array<i32>} : memref<200x64xf32, #tpu.memory_space<vmem>>, vector<1x16xf32>,
        %get3A_197 = vector.shape_cast %get3A_196 : vector<1x16xf32> to vector<16xf32>
        %add3A_198 = arith.addf %add3A_176, %get3A_197 : vector<16xf32>
        %get3A_199 = arith.index_cast %scan3A_188 : i32 to index
        %get3A_200 = arith.constant 32 : index
        %get3A_201 = tpu.vector_load %arg7[%get3A_199, %get3A_200] {strides = array<i32>} : memref<200x64xf32, #tpu.memory_space<vmem>>, vector<1x16xf32>,
        %get3A_202 = vector.shape_cast %get3A_201 : vector<1x16xf32> to vector<16xf32>
        %add3A_203 = arith.addf %add3A_181, %get3A_202 : vector<16xf32>
        %get3A_204 = arith.index_cast %scan3A_188 : i32 to index
        %get3A_205 = arith.constant 48 : index
        %get3A_206 = tpu.vector_load %arg7[%get3A_204, %get3A_205] {strides = array<i32>} : memref<200x64xf32, #tpu.memory_space<vmem>>, vector<1x16xf32>,
        %get3A_207 = vector.shape_cast %get3A_206 : vector<1x16xf32> to vector<16xf32>
        %add3A_208 = arith.addf %add3A_186, %get3A_207 : vector<16xf32>
        %scan3A_209 = arith.constant 4 : i32
        %scan3A_210 = arith.addi %scan3A_119, %scan3A_209 : i32
        %get3A_211 = arith.index_cast %scan3A_210 : i32 to index
        %get3A_212 = arith.constant 0 : index
        %get3A_213 = tpu.vector_load %arg7[%get3A_211, %get3A_212] {strides = array<i32>} : memref<200x64xf32, #tpu.memory_space<vmem>>, vector<1x16xf32>,
        %get3A_214 = vector.shape_cast %get3A_213 : vector<1x16xf32> to vector<16xf32>
        %add3A_215 = arith.addf %add3A_193, %get3A_214 : vector<16xf32>
        %get3A_216 = arith.index_cast %scan3A_210 : i32 to index
        %get3A_217 = arith.constant 16 : index
        %get3A_218 = tpu.vector_load %arg7[%get3A_216, %get3A_217] {strides = array<i32>} : memref<200x64xf32, #tpu.memory_space<vmem>>, vector<1x16xf32>,
        %get3A_219 = vector.shape_cast %get3A_218 : vector<1x16xf32> to vector<16xf32>
        %add3A_220 = arith.addf %add3A_198, %get3A_219 : vector<16xf32>
        %get3A_221 = arith.index_cast %scan3A_210 : i32 to index
        %get3A_222 = arith.constant 32 : index
        %get3A_223 = tpu.vector_load %arg7[%get3A_221, %get3A_222] {strides = array<i32>} : memref<200x64xf32, #tpu.memory_space<vmem>>, vector<1x16xf32>,
        %get3A_224 = vector.shape_cast %get3A_223 : vector<1x16xf32> to vector<16xf32>
        %add3A_225 = arith.addf %add3A_203, %get3A_224 : vector<16xf32>
        %get3A_226 = arith.index_cast %scan3A_210 : i32 to index
        %get3A_227 = arith.constant 48 : index
        %get3A_228 = tpu.vector_load %arg7[%get3A_226, %get3A_227] {strides = array<i32>} : memref<200x64xf32, #tpu.memory_space<vmem>>, vector<1x16xf32>,
        %get3A_229 = vector.shape_cast %get3A_228 : vector<1x16xf32> to vector<16xf32>
        %add3A_230 = arith.addf %add3A_208, %get3A_229 : vector<16xf32>
        %scan3A_231 = arith.constant 5 : i32
        %scan3A_232 = arith.addi %scan3A_119, %scan3A_231 : i32
        %get3A_233 = arith.index_cast %scan3A_232 : i32 to index
        %get3A_234 = arith.constant 0 : index
        %get3A_235 = tpu.vector_load %arg7[%get3A_233, %get3A_234] {strides = array<i32>} : memref<200x64xf32, #tpu.memory_space<vmem>>, vector<1x16xf32>,
        %get3A_236 = vector.shape_cast %get3A_235 : vector<1x16xf32> to vector<16xf32>
        %add3A_237 = arith.addf %add3A_215, %get3A_236 : vector<16xf32>
        %get3A_238 = arith.index_cast %scan3A_232 : i32 to index
        %get3A_239 = arith.constant 16 : index
        %get3A_240 = tpu.vector_load %arg7[%get3A_238, %get3A_239] {strides = array<i32>} : memref<200x64xf32, #tpu.memory_space<vmem>>, vector<1x16xf32>,
        %get3A_241 = vector.shape_cast %get3A_240 : vector<1x16xf32> to vector<16xf32>
        %add3A_242 = arith.addf %add3A_220, %get3A_241 : vector<16xf32>
        %get3A_243 = arith.index_cast %scan3A_232 : i32 to index
        %get3A_244 = arith.constant 32 : index
        %get3A_245 = tpu.vector_load %arg7[%get3A_243, %get3A_244] {strides = array<i32>} : memref<200x64xf32, #tpu.memory_space<vmem>>, vector<1x16xf32>,
        %get3A_246 = vector.shape_cast %get3A_245 : vector<1x16xf32> to vector<16xf32>
        %add3A_247 = arith.addf %add3A_225, %get3A_246 : vector<16xf32>
        %get3A_248 = arith.index_cast %scan3A_232 : i32 to index
        %get3A_249 = arith.constant 48 : index
        %get3A_250 = tpu.vector_load %arg7[%get3A_248, %get3A_249] {strides = array<i32>} : memref<200x64xf32, #tpu.memory_space<vmem>>, vector<1x16xf32>,
        %get3A_251 = vector.shape_cast %get3A_250 : vector<1x16xf32> to vector<16xf32>
        %add3A_252 = arith.addf %add3A_230, %get3A_251 : vector<16xf32>
        %scan3A_253 = arith.constant 6 : i32
        %scan3A_254 = arith.addi %scan3A_119, %scan3A_253 : i32
        %get3A_255 = arith.index_cast %scan3A_254 : i32 to index
        %get3A_256 = arith.constant 0 : index
        %get3A_257 = tpu.vector_load %arg7[%get3A_255, %get3A_256] {strides = array<i32>} : memref<200x64xf32, #tpu.memory_space<vmem>>, vector<1x16xf32>,
        %get3A_258 = vector.shape_cast %get3A_257 : vector<1x16xf32> to vector<16xf32>
        %add3A_259 = arith.addf %add3A_237, %get3A_258 : vector<16xf32>
        %get3A_260 = arith.index_cast %scan3A_254 : i32 to index
        %get3A_261 = arith.constant 16 : index
        %get3A_262 = tpu.vector_load %arg7[%get3A_260, %get3A_261] {strides = array<i32>} : memref<200x64xf32, #tpu.memory_space<vmem>>, vector<1x16xf32>,
        %get3A_263 = vector.shape_cast %get3A_262 : vector<1x16xf32> to vector<16xf32>
        %add3A_264 = arith.addf %add3A_242, %get3A_263 : vector<16xf32>
        %get3A_265 = arith.index_cast %scan3A_254 : i32 to index
        %get3A_266 = arith.constant 32 : index
        %get3A_267 = tpu.vector_load %arg7[%get3A_265, %get3A_266] {strides = array<i32>} : memref<200x64xf32, #tpu.memory_space<vmem>>, vector<1x16xf32>,
        %get3A_268 = vector.shape_cast %get3A_267 : vector<1x16xf32> to vector<16xf32>
        %add3A_269 = arith.addf %add3A_247, %get3A_268 : vector<16xf32>
        %get3A_270 = arith.index_cast %scan3A_254 : i32 to index
        %get3A_271 = arith.constant 48 : index
        %get3A_272 = tpu.vector_load %arg7[%get3A_270, %get3A_271] {strides = array<i32>} : memref<200x64xf32, #tpu.memory_space<vmem>>, vector<1x16xf32>,
        %get3A_273 = vector.shape_cast %get3A_272 : vector<1x16xf32> to vector<16xf32>
        %add3A_274 = arith.addf %add3A_252, %get3A_273 : vector<16xf32>
        %scan3A_275 = arith.constant 7 : i32
        %scan3A_276 = arith.addi %scan3A_119, %scan3A_275 : i32
        %get3A_277 = arith.index_cast %scan3A_276 : i32 to index
        %get3A_278 = arith.constant 0 : index
        %get3A_279 = tpu.vector_load %arg7[%get3A_277, %get3A_278] {strides = array<i32>} : memref<200x64xf32, #tpu.memory_space<vmem>>, vector<1x16xf32>,
        %get3A_280 = vector.shape_cast %get3A_279 : vector<1x16xf32> to vector<16xf32>
        %add3A_281 = arith.addf %add3A_259, %get3A_280 : vector<16xf32>
        %get3A_282 = arith.index_cast %scan3A_276 : i32 to index
        %get3A_283 = arith.constant 16 : index
        %get3A_284 = tpu.vector_load %arg7[%get3A_282, %get3A_283] {strides = array<i32>} : memref<200x64xf32, #tpu.memory_space<vmem>>, vector<1x16xf32>,
        %get3A_285 = vector.shape_cast %get3A_284 : vector<1x16xf32> to vector<16xf32>
        %add3A_286 = arith.addf %add3A_264, %get3A_285 : vector<16xf32>
        %get3A_287 = arith.index_cast %scan3A_276 : i32 to index
        %get3A_288 = arith.constant 32 : index
        %get3A_289 = tpu.vector_load %arg7[%get3A_287, %get3A_288] {strides = array<i32>} : memref<200x64xf32, #tpu.memory_space<vmem>>, vector<1x16xf32>,
        %get3A_290 = vector.shape_cast %get3A_289 : vector<1x16xf32> to vector<16xf32>
        %add3A_291 = arith.addf %add3A_269, %get3A_290 : vector<16xf32>
        %get3A_292 = arith.index_cast %scan3A_276 : i32 to index
        %get3A_293 = arith.constant 48 : index
        %get3A_294 = tpu.vector_load %arg7[%get3A_292, %get3A_293] {strides = array<i32>} : memref<200x64xf32, #tpu.memory_space<vmem>>, vector<1x16xf32>,
        %get3A_295 = vector.shape_cast %get3A_294 : vector<1x16xf32> to vector<16xf32>
        %add3A_296 = arith.addf %add3A_274, %get3A_295 : vector<16xf32>
        scf.yield %add3A_281, %add3A_286, %add3A_291, %add3A_296 : vector<16xf32>, vector<16xf32>, vector<16xf32>, vector<16xf32>
      }
      %scan3A_98 = arith.constant 200 : i32
      %swap3A_99 = arith.index_cast %add3A_90 : i32 to index
      %swap3A_100 = arith.constant 0 : index
      %swap3A_101 = tpu.vector_load %arg8[%swap3A_99, %swap3A_100] {strides = array<i32>} : memref<128x64xf32, #tpu.memory_space<vmem>>, vector<1x16xf32>,
      %swap3A_102 = vector.shape_cast %swap3A_101 : vector<1x16xf32> to vector<16xf32>
      %swap3A_103 = vector.shape_cast %scan3A_97#0 : vector<16xf32> to vector<1x16xf32>
      tpu.vector_store %arg8[%swap3A_99, %swap3A_100], %swap3A_103 {strides = array<i32>} : memref<128x64xf32, #tpu.memory_space<vmem>>, vector<1x16xf32>,
      %swap3A_104 = arith.index_cast %add3A_90 : i32 to index
      %swap3A_105 = arith.constant 16 : index
      %swap3A_106 = tpu.vector_load %arg8[%swap3A_104, %swap3A_105] {strides = array<i32>} : memref<128x64xf32, #tpu.memory_space<vmem>>, vector<1x16xf32>,
      %swap3A_107 = vector.shape_cast %swap3A_106 : vector<1x16xf32> to vector<16xf32>
      %swap3A_108 = vector.shape_cast %scan3A_97#1 : vector<16xf32> to vector<1x16xf32>
      tpu.vector_store %arg8[%swap3A_104, %swap3A_105], %swap3A_108 {strides = array<i32>} : memref<128x64xf32, #tpu.memory_space<vmem>>, vector<1x16xf32>,
      %swap3A_109 = arith.index_cast %add3A_90 : i32 to index
      %swap3A_110 = arith.constant 32 : index
      %swap3A_111 = tpu.vector_load %arg8[%swap3A_109, %swap3A_110] {strides = array<i32>} : memref<128x64xf32, #tpu.memory_space<vmem>>, vector<1x16xf32>,
      %swap3A_112 = vector.shape_cast %swap3A_111 : vector<1x16xf32> to vector<16xf32>
      %swap3A_113 = vector.shape_cast %scan3A_97#2 : vector<16xf32> to vector<1x16xf32>
      tpu.vector_store %arg8[%swap3A_109, %swap3A_110], %swap3A_113 {strides = array<i32>} : memref<128x64xf32, #tpu.memory_space<vmem>>, vector<1x16xf32>,
      %swap3A_114 = arith.index_cast %add3A_90 : i32 to index
      %swap3A_115 = arith.constant 48 : index
      %swap3A_116 = tpu.vector_load %arg8[%swap3A_114, %swap3A_115] {strides = array<i32>} : memref<128x64xf32, #tpu.memory_space<vmem>>, vector<1x16xf32>,
      %swap3A_117 = vector.shape_cast %swap3A_116 : vector<1x16xf32> to vector<16xf32>
      %swap3A_118 = vector.shape_cast %scan3A_97#3 : vector<16xf32> to vector<1x16xf32>
      tpu.vector_store %arg8[%swap3A_114, %swap3A_115], %swap3A_118 {strides = array<i32>} : memref<128x64xf32, #tpu.memory_space<vmem>>, vector<1x16xf32>,
    }
    %scan3A_26 = arith.constant 64 : i32
    "tpu.region"() ({
      %run_scoped3A = tpu.sem_alloc : memref<!tpu.dma_semaphore, #tpu.memory_space<semaphore_mem>>
      %dma_start3A_27 = arith.constant 0 : i32
      %dma_start3A_28 = tpu.memref_slice %arg4[%mul3A_2, %dma_start3A_27] : memref<4096x64xf32, #tpu.memory_space<hbm>> -> memref<128x64xf32, #tpu.memory_space<hbm>>
      %dma_start3A_29 = arith.constant 0 : i32
      %dma_start3A_30 = tpu.memref_slice %arg4[%mul3A_2, %dma_start3A_29] : memref<4096x64xf32, #tpu.memory_space<hbm>> -> memref<128x64xf32, #tpu.memory_space<hbm>>
      tpu.enqueue_dma source(%arg8 : memref<128x64xf32, #tpu.memory_space<vmem>>) target(%dma_start3A_30 : memref<128x64xf32, #tpu.memory_space<hbm>>) target_semaphore(%run_scoped3A : memref<!tpu.dma_semaphore, #tpu.memory_space<semaphore_mem>>)
      %dma_wait3A = arith.constant 0 : i32
      %dma_wait3A_31 = tpu.memref_slice %arg4[%mul3A_2, %dma_wait3A] : memref<4096x64xf32, #tpu.memory_space<hbm>> -> memref<128x64xf32, #tpu.memory_space<hbm>>
      %dma_wait3A_32 = arith.constant 0 : i32
      %dma_wait3A_33 = tpu.memref_slice %arg4[%mul3A_2, %dma_wait3A_32] : memref<4096x64xf32, #tpu.memory_space<hbm>> -> memref<128x64xf32, #tpu.memory_space<hbm>>
      tpu.wait_dma2 semaphore(%run_scoped3A : memref<!tpu.dma_semaphore, #tpu.memory_space<semaphore_mem>>) src(%arg8 : memref<128x64xf32, #tpu.memory_space<vmem>>) dst(%dma_wait3A_33 : memref<128x64xf32, #tpu.memory_space<hbm>>)
      tpu.yield
    }) : () -> ()
    return
  }
}

module attributes {stable_mosaic.version = 14 : i64} {
  func.func @_mlp_body(%arg0: memref<4096x64xf32, #tpu.memory_space<vmem>>, %arg1: memref<64x128xf32, #tpu.memory_space<vmem>>, %arg2: memref<1x128xf32, #tpu.memory_space<vmem>>, %arg3: memref<128x128xf32, #tpu.memory_space<vmem>>, %arg4: memref<1x128xf32, #tpu.memory_space<vmem>>, %arg5: memref<128x128xf32, #tpu.memory_space<vmem>>, %arg6: memref<1x128xf32, #tpu.memory_space<vmem>>, %arg7: memref<4096x128xf32, #tpu.memory_space<vmem>>) attributes {dimension_semantics = [], scalar_prefetch = 0 : i64, scratch_operands = 0 : i64, tpu.core_type = #tpu.core_type<tc>} {
    %get3A = arith.constant 0 : index
    %get3A_0 = arith.constant 0 : index
    %get3A_1 = vector.load %arg0[%get3A, %get3A_0] : memref<4096x64xf32, #tpu.memory_space<vmem>>, vector<4096x64xf32>
    %get3A_2 = arith.constant 0 : index
    %get3A_3 = arith.constant 0 : index
    %get3A_4 = vector.load %arg1[%get3A_2, %get3A_3] : memref<64x128xf32, #tpu.memory_space<vmem>>, vector<64x128xf32>
    %dot_general3A = arith.constant dense<0.000000e+00> : vector<4096x128xf32>
    %dot_general3A_5 = tpu.matmul %get3A_1, %get3A_4, %dot_general3A {dimension_numbers = #tpu.dot_dimension_numbers<[1], [0], [0], [1], [0, 0, 1, 1], [], []>, transpose_lhs_hint = false} : vector<4096x64xf32>, vector<64x128xf32>, vector<4096x128xf32> -> vector<4096x128xf32>
    %get3A_6 = arith.constant 0 : index
    %get3A_7 = arith.constant 0 : index
    %get3A_8 = vector.load %arg2[%get3A_6, %get3A_7] : memref<1x128xf32, #tpu.memory_space<vmem>>, vector<1x128xf32>
    %add3A = vector.broadcast %get3A_8 : vector<1x128xf32> to vector<4096x128xf32>
    %add3A_9 = arith.addf %dot_general3A_5, %add3A : vector<4096x128xf32>
    %tanh3A = math.tanh %add3A_9 : vector<4096x128xf32>
    %get3A_10 = arith.constant 0 : index
    %get3A_11 = arith.constant 0 : index
    %get3A_12 = vector.load %arg3[%get3A_10, %get3A_11] : memref<128x128xf32, #tpu.memory_space<vmem>>, vector<128x128xf32>
    %dot_general3A_13 = arith.constant dense<0.000000e+00> : vector<4096x128xf32>
    %dot_general3A_14 = tpu.matmul %tanh3A, %get3A_12, %dot_general3A_13 {dimension_numbers = #tpu.dot_dimension_numbers<[1], [0], [0], [1], [0, 0, 1, 1], [], []>, transpose_lhs_hint = false} : vector<4096x128xf32>, vector<128x128xf32>, vector<4096x128xf32> -> vector<4096x128xf32>
    %get3A_15 = arith.constant 0 : index
    %get3A_16 = arith.constant 0 : index
    %get3A_17 = vector.load %arg4[%get3A_15, %get3A_16] : memref<1x128xf32, #tpu.memory_space<vmem>>, vector<1x128xf32>
    %add3A_18 = vector.broadcast %get3A_17 : vector<1x128xf32> to vector<4096x128xf32>
    %add3A_19 = arith.addf %dot_general3A_14, %add3A_18 : vector<4096x128xf32>
    %tanh3A_20 = math.tanh %add3A_19 : vector<4096x128xf32>
    %get3A_21 = arith.constant 0 : index
    %get3A_22 = arith.constant 0 : index
    %get3A_23 = vector.load %arg5[%get3A_21, %get3A_22] : memref<128x128xf32, #tpu.memory_space<vmem>>, vector<128x128xf32>
    %dot_general3A_24 = arith.constant dense<0.000000e+00> : vector<4096x128xf32>
    %dot_general3A_25 = tpu.matmul %tanh3A_20, %get3A_23, %dot_general3A_24 {dimension_numbers = #tpu.dot_dimension_numbers<[1], [0], [0], [1], [0, 0, 1, 1], [], []>, transpose_lhs_hint = false} : vector<4096x128xf32>, vector<128x128xf32>, vector<4096x128xf32> -> vector<4096x128xf32>
    %get3A_26 = arith.constant 0 : index
    %get3A_27 = arith.constant 0 : index
    %get3A_28 = vector.load %arg6[%get3A_26, %get3A_27] : memref<1x128xf32, #tpu.memory_space<vmem>>, vector<1x128xf32>
    %add3A_29 = vector.broadcast %get3A_28 : vector<1x128xf32> to vector<4096x128xf32>
    %add3A_30 = arith.addf %dot_general3A_25, %add3A_29 : vector<4096x128xf32>
    %swap3A = arith.constant 0 : index
    %swap3A_31 = arith.constant 0 : index
    %swap3A_32 = vector.load %arg7[%swap3A, %swap3A_31] : memref<4096x128xf32, #tpu.memory_space<vmem>>, vector<4096x128xf32>
    tpu.vector_store %arg7[%swap3A, %swap3A_31], %add3A_30 {strides = array<i32>} : memref<4096x128xf32, #tpu.memory_space<vmem>>, vector<4096x128xf32>,
    return
  }
}

</mosaic_0001>

<sc_bundles>
// kernel: kernel.4.cloned.1.call-start
scs
__scs_entry_jumppad:
0x0: {  	(pc) =	sbr.rel $0x88, $3  }
0x1: {  	(tag) =	ssettag $0x0;
	lr =	simm.s32 $0x1  }
0x2: {  	[smem:$0x3F99] =	sst lr;
	_ =	strace $0xD0000000  }
0x3: {  	_ = 	snop  }
0x4: {  	_ = 	snop  }
0x5: {  	_ = 	snop  }
0x6: {  	_ = 	snop  }
0x7: {  	_ = 	snop  }
__scs_overlays_trampoline_lowered:
0x8: {  	[smem:$0x3FA8] =	sst s0  }
0x9: {  	[smem:$0x3FA9] =	sst s1  }
0xa: {  	[smem:$0x3FAA] =	sst s2  }
0xb: {  	[smem:$0x3FAB] =	sst s3  }
0xc: {  	[smem:$0x3FAC] =	sst s4  }
0xd: {  	[smem:$0x3FAD] =	sst s5  }
0xe: {  	[smem:$0x3FAE] =	sst s6  }
0xf: {  	[smem:$0x3FAF] =	sst s7  }
0x10: {  	[smem:$0x3FB0] =	sst s8  }
0x11: {  	[smem:$0x3FB1] =	sst s9;
	s0 =	simm.s32 @!p0 $0x0  }
0x12: {  	s1 =	sld [smem:$0x3F97];
	s0 =	simm.s32 @p0 $0x1  }
0x13: {  	[smem:$0x3FB2] =	sst s0;
	s0 =	simm.s32 @!p1 $0x0  }
0x14: {  	s2 =	sld [smem:$0x3F96];
	s0 =	simm.s32 @p1 $0x1  }
0x15: {  	[smem:$0x3FB3] =	sst s0;
	s0 =	simm.s32 @!p2 $0x0  }
0x16: {  	s3 =	sld [smem:$0x3FDB];
	s0 =	simm.s32 @p2 $0x1  }
0x17: {  	s4 =	simm.s32 $0x1BF5;
	[smem:$0x3FB5] =	sst s0  }
0x18: {  	s0 =	sld [smem:$0x3F98];
	_ =	swait.ge [sflag:s4], $0x0  }
0x19: {  	s7 =	sld [smem:$0x3F99]  }
0x1a: {  	s8 =	sadd.s32 $0xFFFFE003, lr  }
0x1b: {  	s9 =	sadd.s32 $0xFFFFFEF7, lr;
	s5 =	simm.s32 $0xFFFFFFFF;
	p2 =	slt.u32 s8, $0xFFFFF086  }
0x1c: {  	p1 =	slt.u32 s9, $0xF7A;
	s5 =	simm.s32 @!p2 $0x0  }
0x1d: {  	s5 =	simm.s32 @p1 $0x1;
	p0 =	seq.s32 s7, s2  }
0x1e: {  	s7 =	smul.u32 @!p0 $0xF7A, s2;
	p2 =	seq.s32 @!p0 s5, $0x0  }
0x1f: {  	s9 =	smul.u32 $0xF7A, s1;
	s8 =	simm.s32 @!p0 $0x1BF5;
	p2 =	por !p2, p0  }
0x20: {  	[sflag:s8] =	ssyncset.s32 @!p0 $0xFFFFF086;
	s6 =	sadd.s32 @!p0 s3, s7;
	s7 =	simm.s32 @!p0 $0x108  }
0x21: {  	s3 =	sadd.s32 s3, s9;
	s6 =	sadd.s32 @!p0 $0x88, s6;
	s7 =	simm.s32 @p2 $0x1082  }
0x22: {  	[simem:s7], [sflag:s8] =	dma.local @!p0 [hbm:s6], $0xF7A  }
0x23: {  	s9 =	sor.u32 $0xD0000000, s2;
	s6 =	simm.s32 $0x108;
	_ =	swait.ge @!p0 [sflag:s8], $0x0  }
0x24: {  	s3 =	sadd.s32 $0x88, s3;
	s6 =	simm.s32 @!p1 $0x1082;
	[sflag:s4] =	ssyncset.s32 $0xFFFFF086  }
0x25: {  	[simem:s6], [sflag:s4] =	dma.local [hbm:s3], $0xF7A  }
0x26: {  	[smem:$0x3F99] =	sst s1;
	(tag) =	ssettag s2;
	_ =	strace s9  }
0x27: {  	s1 =	sld [smem:$0x3FA9]  }
0x28: {  	s2 =	sld [smem:$0x3FAA]  }
0x29: {  	s4 =	sld [smem:$0x3FAC]  }
0x2a: {  	p0 =	seq.s32 s5, $0x0;
	s5 =	sld [smem:$0x3FAD]  }
0x2b: {  	s6 =	sld [smem:$0x3FAE]  }
0x2c: {  	s7 =	sld [smem:$0x3FAF]  }
0x2d: {  	s3 =	simm.s32 $0x108;
	s8 =	sld [smem:$0x3FB0]  }
0x2e: {  	s3 =	simm.s32 @!p0 $0x1082;
	s9 =	sld [smem:$0x3FB1]  }
0x2f: {  	lr =	sadd.s32 s0, s3;
	s0 =	sld [smem:$0x3FA8]  }
0x30: {  	s3 =	sld [smem:$0x3FAB]  }
0x31: {  	[smem:$0x3FB4] =	sst s10  }
0x32: {  	s10 =	sld [smem:$0x3FB2];
	_ =	sdelay $0x3  }
0x33: {  	p0 =	seq.s32 s10, $0x1;
	s10 =	sld [smem:$0x3FB4];
	_ =	sdelay $0x3  }
0x34: {  	[smem:$0x3FB4] =	sst s10  }
0x35: {  	s10 =	sld [smem:$0x3FB3];
	_ =	sdelay $0x3  }
0x36: {  	p1 =	seq.s32 s10, $0x1;
	s10 =	sld [smem:$0x3FB4];
	_ =	sdelay $0x3  }
0x37: {  	[smem:$0x3FB4] =	sst s10  }
0x38: {  	s10 =	sld [smem:$0x3FB5]  }
0x39: {  	_ = 	snop;
	(pc) =	sbr.ind lr, $3  }
0x3a: {  	_ = 	snop  }
0x3b: {  	_ = 	snop  }
0x3c: {  	p2 =	seq.s32 s10, $0x1;
	s10 =	sld [smem:$0x3FB4]  }
0x3d: {  	_ =	shalt  }
0x3e: {  	_ =	shalt  }
0x3f: {  	_ =	shalt  }
0x40: {  	_ =	shalt  }
0x41: {  	_ =	shalt  }
0x42: {  	_ =	shalt  }
0x43: {  	_ =	shalt  }
0x44: {  	_ =	shalt  }
0x45: {  	_ =	shalt  }
0x46: {  	_ =	shalt  }
0x47: {  	_ =	shalt  }
0x48: {  	_ =	shalt  }
0x49: {  	_ =	shalt  }
0x4a: {  	_ =	shalt  }
0x4b: {  	_ =	shalt  }
0x4c: {  	_ =	shalt  }
0x4d: {  	_ =	shalt  }
0x4e: {  	_ =	shalt  }
0x4f: {  	_ =	shalt  }
0x50: {  	_ =	shalt  }
0x51: {  	_ =	shalt  }
0x52: {  	_ =	shalt  }
0x53: {  	_ =	shalt  }
0x54: {  	_ =	shalt  }
0x55: {  	_ =	shalt  }
0x56: {  	_ =	shalt  }
0x57: {  	_ =	shalt  }
0x58: {  	_ =	shalt  }
0x59: {  	_ =	shalt  }
0x5a: {  	_ =	shalt  }
0x5b: {  	_ =	shalt  }
0x5c: {  	_ =	shalt  }
0x5d: {  	_ =	shalt  }
0x5e: {  	_ =	shalt  }
0x5f: {  	_ =	shalt  }
0x60: {  	_ =	shalt  }
0x61: {  	_ =	shalt  }
0x62: {  	_ =	shalt  }
0x63: {  	_ =	shalt  }
0x64: {  	_ =	shalt  }
0x65: {  	_ =	shalt  }
0x66: {  	_ =	shalt  }
0x67: {  	_ =	shalt  }
0x68: {  	_ =	shalt  }
0x69: {  	_ =	shalt  }
0x6a: {  	_ =	shalt  }
0x6b: {  	_ =	shalt  }
0x6c: {  	_ =	shalt  }
0x6d: {  	_ =	shalt  }
0x6e: {  	_ =	shalt  }
0x6f: {  	_ =	shalt  }
0x70: {  	_ =	shalt  }
0x71: {  	_ =	shalt  }
0x72: {  	_ =	shalt  }
0x73: {  	_ =	shalt  }
0x74: {  	_ =	shalt  }
0x75: {  	_ =	shalt  }
0x76: {  	_ =	shalt  }
0x77: {  	_ =	shalt  }
0x78: {  	_ =	shalt  }
0x79: {  	_ =	shalt  }
0x7a: {  	_ =	shalt  }
0x7b: {  	_ =	shalt  }
0x7c: {  	_ =	shalt  }
0x7d: {  	_ =	shalt  }
0x7e: {  	_ =	shalt  }
0x7f: {  	_ =	shalt  }
0x80: {  	_ =	shalt  }
0x81: {  	_ =	shalt  }
0x82: {  	_ =	shalt  }
0x83: {  	_ =	shalt  }
0x84: {  	_ =	shalt  }
0x85: {  	_ =	shalt  }
0x86: {  	_ =	shalt  }
0x87: {  	_ =	shalt  }
.Lfunc_end0:
.L_simem_size_0:
called_computation_lowered:
.L_overlay_start_0:
0x88: {  	s2 =	sld [smem:$0x3FD9]  }
0x89: {  	s3 =	sld [smem:$0x3FFE];
	_ =	sdelay $0x1  }
0x8a: {  	s1 =	srdreg.scid  }
0x8b: {  	s0 =	sand.u32 $0x1, s1  }
0x8c: {  	s16 =	sshll.u32 s0, $0xA;
	s2 =	sadd.s32 s3, s2  }
0x8d: {  	s2 =	sadd.s32 s2, s16  }
0x8e: {  	[smem:$0x3FC0] =	sst s2  }
0x8f: {  	_ = 	snop  }
0x90: {  	(tm) =	ssettm $0x1  }
0x91: {  	s17 =	sld [smem:$0x3FFB];
	_ =	sdelay $0x3  }
0x92: {  	_ =	strace s17  }
0x93: {  	s2 =	sld [smem:$0x3FFC];
	_ =	sdelay $0x3  }
0x94: {  	_ =	strace s2  }
0x95: {  	s2 =	sld [smem:$0x3FFD];
	_ =	sdelay $0x3  }
0x96: {  	_ =	strace s2  }
0x97: {  	_ =	strace $0x8FFFFFFF  }
0x98: {  	s18 =	sld [smem:$0x3FDB];
	_ =	sdelay $0x1  }
0x99: {  	s19 =	simm.s32 $_scs_section_size  }
0x9a: {  	s4 =	simm.s32 $_size__tile_overlayer_lowered;
	s5 =	simm.s32 $_tile_overlayer_lowered  }
0x9b: {  	s22 =	simm.s32 $0x1BFF;
	s21 =	sshll.u32 s5, $0x1;
	s2 =	sadd.s32 s19, s18  }
0x9c: {  	s6 =	simm.s32 $0x0;
	s20 =	sshll.u32 s4, $0x1;
	s4 =	sadd.s32 s21, s2  }
0x9d: {  	[timem:s6], [sflag:s22] =	dma.local [hbm:s4], s20  }
0x9e: {  	_ =	swait.ge [sflag:s22], s20  }
0x9f: {  	s3 =	ssub.s32 $0x0, s20;
	[sflag:s22] =	ssyncset.done $0x0  }
0xa0: {  	[sflag:s22] =	ssyncadd.s32 s3;
	_ =	sdelay $0x1  }
0xa1: {  	s23 =	simm.s32 $0x1B8B  }
0xa2: {  	_ =	swait.ge [sflag:s23], $0x1  }
0xa3: {  	[sflag:s23] =	ssyncset.done $0x0  }
0xa4: {  	s25 =	simm.s32 $0x1B8E;
	s24 =	sld [smem:$0x3FFE];
	[sflag:s23] =	ssyncadd.s32 $0xFFFFFFFF  }
0xa5: {  	s26 =	simm.s32 $execute0_lowered;
	[smem:$0x3FD2] =	sst s25  }
0xa6: {  	s4 =	sshll.u32 s26, $0x1;
	_ =	strace $0x80000046;
	[dreg:$0x1] =	wrdreg $0xFFFFFFFF  }
0xa7: {  	s28 =	simm.s32 $_size_execute0_lowered;
	s2 =	sadd.s32 s2, s4;
	[dreg:$0x0] =	wrdreg $0x0  }
0xa8: {  	s4 =	sshll.u32 s28, $0x1;
	[dreg:$0x2] =	wrdreg s2  }
0xa9: {  	[dreg:$0x3] =	wrdreg s4  }
0xaa: {  	[dreg:$0x4] =	wrdreg $0xC0  }
0xab: {  	_ =	task [dreg:s6], $0x5FFFF  }
0xac: {  	[dreg:$0x1] =	wrdreg $0xFFFFFFFF  }
0xad: {  	[dreg:$0x0] =	wrdreg $0x60  }
0xae: {  	[dreg:$0x2] =	wrdreg s24  }
0xaf: {  	[dreg:$0x3] =	wrdreg $0x9  }
0xb0: {  	_ =	task.clear_ibuf [dreg:s6], $0x4FFFF;
	_ =	strace $0x90000046  }
0xb1: {  	s29 =	simm.s32 $0x9;
	_ =	strace $0x80000048  }
0xb2: {  	_ =	swait.ge [sflag:s29], $0x1  }
0xb3: {  	[sflag:s29] =	ssyncadd.s32 $0xFFFFFFFF  }
0xb4: {  	_ =	strace $0x90000048  }
0xb5: {  	_ =	sfence  }
0xb6: {  	s30 =	sld [smem:$0x0];
	_ =	sdelay $0x2  }
0xb7: {  	s31 =	sshll.u32 s1, $0xD;
	s1 =	sshrl.u32 s1, $0x2  }
0xb8: {  	s3 =	sand.u32 $0x4000, s31;
	s1 =	sadd.s32 s1, s30  }
0xb9: {  	s0 =	sor.u32 s3, s0;
	s1 =	sshll.u32 s1, $0x11  }
0xba: {  	s0 =	sor.u32 s1, s0  }
0xbb: {  	s0 =	sadd.s32 $0x8F2B, s0  }
0xbc: {  	[sflag:s0] =	ssyncadd.remote.s32 $0x1  }
0xbd: {  	_ =	sfence.sel $0xFFFF  }
0xbe: {  	[dreg:$0x0] =	wrdreg $0xFFFFFFFF;
	(pc) =	sbr.abs _section_cstart, $3  }
0xbf: {  	[dreg:$0x1] =	wrdreg $0xFFFFFFFF  }
0xc0: {  	_ =	task.clear_ibuf [dreg:s6], $0x2FFFF;
	_ =	strace $0x9FFFFFFF  }
0xc1: {  	(tm) =	ssettm $0x7FFFFFFF  }
tec
execute0_lowered:
.L_overlay_start_1:
0x0: {  	(tag) =	ssettag $0x1  }
0x1: {  	s1 =	srdreg.scid  }
0x2: {  	s0 =	stileid.u32;
	s4 =	rddreg [dreg:$0x0]  }
0x3: {  	s2 =	simm.s32 $0x0;
	s8 =	simm.s32 $0x80;
	s9 =	simm.s32 $0x6400  }
0x4: {  	s10 =	simm.s32 $0x48;
	s11 =	simm.s32 $0x8400;
	s12 =	simm.s32 $0x9600  }
0x5: {  	s13 =	simm.s32 $0xB600;
	s14 =	simm.s32 $0x1;
	s15 =	simm.s32 $0x2  }
0x6: {  	s16 =	simm.s32 $0xC800;
	s17 =	simm.s32 $0x0;
	s3 =	sand.u32 $0x1, s1  }
0x7: {  	s5 =	sshll.u32 s0, $0x8;
	[smem:$0x7FF] =	sst s2;
	s6 =	sshll.u32 s3, $0x7  }
0x8: {  	s1 =	rddreg [dreg:$0x1];
	_ =	strace $0x80000047;
	s5 =	sor.u32 s6, s5  }
0x9: {  	s7 =	ssub.s32 $0x2, s3;
	s6 =	smul.u32 $0x19, s5;
	s5 =	sshll.u32 s5, $0x3  }
0xa: {  	s3 =	sadd.s32 $0xF43600, s4;
	s31 =	sshrl.u32 s7, $0x1;
	s5 =	sadd.s32 s5, s4  }
0xb: {  	s7 =	ssub.s32 s7, s31;
	s6 =	sadd.s32 s6, s4;
	s5 =	sadd.s32 $0x1A200, s5  }
0xc: {  	s4 =	sadd.s32 $0x1200, s6;
	s6 =	smax.u32 s7, $0x1;
	s7 =	simm.s32 $0x3  }
.LBB2_1:
0xd: {  	[tilespmem:s2], [sflag:$0x3] =	stream.linear.gather [hbm4b:s4+s2], $0x6400, $0x38;
	[tilespmem:$0xE800] =	vst v63  }
0xe: {  	_ =	swait.ge [sflag:s7], $0x6400  }
0xf: {  	[sflag:s7] =	ssyncset.done $0x0  }
0x10: {  	[sflag:s7] =	ssyncadd.s32 $0xFFFF9C00  }
0x11: {  	[tilespmem:s9], [sflag:$0x1] =	stream.indirect.gather [hbm4b:s3+s8], $0x40, s2, s8, $0xb8;
	[tilespmem:$0xE800] =	vst v63  }
0x12: {  	s18 =	simm.s32 $0x0  }
0x13: {  	[tilespmem:s11], [sflag:$0x1] =	stream.indirect.gather [hbm4b:s3+s10], $0x40, s8, s10, $0xb8;
	[tilespmem:$0xE800] =	vst v63  }
.LBB2_2:
0x14: {  	s19 =	sshllo.u32 s18, $0x1  }
0x15: {  	s20 =	smul.u32 $0x320, s19;
	_ =	sdelay $0x1  }
0x16: {  	s20 =	sshra.s32 s20, $0x2  }
0x17: {  	[tilespmem:s12], [sflag:$0x2] =	stream.indirect.gather [hbm4b:s3+s8], $0x40, s20, s8, $0xb8;
	[tilespmem:$0xE800] =	vst v63  }
0x18: {  	s20 =	sadd.s32 $0x80, s20  }
0x19: {  	[tilespmem:s13], [sflag:$0x2] =	stream.indirect.gather [hbm4b:s3+s10], $0x40, s20, s10, $0xb8;
	[tilespmem:$0xE800] =	vst v63  }
0x1a: {  	_ =	swait.ge [sflag:s14], $0x3200  }
0x1b: {  	[sflag:s14] =	ssyncset.done $0x0  }
0x1c: {  	s21 =	simm.s32 $0x6500;
	[sflag:s14] =	ssyncadd.s32 $0xFFFFCE00  }
0x1d: {  	v0 =	vld [tilespmem:s21+$0xC0]  }
0x1e: {  	v1 =	vld [tilespmem:s21+$0xD0]  }
0x1f: {  	v2 =	vld [tilespmem:s21+$0x80]  }
0x20: {  	v3 =	vld [tilespmem:s21+$0x90]  }
0x21: {  	v9 =	vld [tilespmem:s21+$0x40]  }
0x22: {  	v12 =	vld [tilespmem:s21+$0x50]  }
0x23: {  	v5 =	vld [tilespmem:s21+$0x0]  }
0x24: {  	v8 =	vld [tilespmem:s21+$0x10]  }
0x25: {  	v6 =	vld [tilespmem:s21+$0xFFFFFFC0]  }
0x26: {  	v7 =	vld [tilespmem:s21+$0xFFFFFFD0]  }
0x27: {  	v4 =	vld [tilespmem:s21+$0xFFFFFF80]  }
0x28: {  	v10 =	vld [tilespmem:s21+$0xFFFFFF90]  }
0x29: {  	v11 =	vld [tilespmem:s21+$0xFFFFFF40]  }
0x2a: {  	v13 =	vld [tilespmem:s21+$0xFFFFFF50]  }
0x2b: {  	v14 =	vld [tilespmem:s21+$0xFFFFFF00]  }
0x2c: {  	v15 =	vld [tilespmem:s21+$0xFFFFFF10]  }
0x2d: {  	v16 =	vld [tilespmem:s21+$0xFFFFFF20]  }
0x2e: {  	v17 =	vld [tilespmem:s21+$0xFFFFFF30]  }
0x2f: {  	v18 =	vld [tilespmem:s21+$0xFFFFFF60]  }
0x30: {  	v19 =	vld [tilespmem:s21+$0xFFFFFF70]  }
0x31: {  	v20 =	vimm.f32 $0.0e+00;
	v21 =	vld [tilespmem:s21+$0xFFFFFFA0]  }
0x32: {  	v22 =	vld [tilespmem:s21+$0xFFFFFFB0];
	v14 =	vadd.f32 v14, v20;
	v15 =	vadd.f32 v15, v20  }
0x33: {  	v59 =	vld [tilespmem:s21+$0xFFFFFFE0];
	v16 =	vadd.f32 v16, v20;
	v17 =	vadd.f32 v17, v20  }
0x34: {  	v11 =	vadd.f32 v11, v14;
	v13 =	vadd.f32 v13, v15;
	v14 =	vld [tilespmem:s21+$0xFFFFFFF0]  }
0x35: {  	v61 =	vld [tilespmem:s21+$0x20];
	v15 =	vadd.f32 v18, v16;
	v60 =	vadd.f32 v19, v17  }
0x36: {  	v11 =	vadd.f32 v4, v11;
	v10 =	vadd.f32 v10, v13;
	v13 =	vld [tilespmem:s21+$0x30]  }
0x37: {  	v15 =	vadd.f32 v21, v15;
	v16 =	vadd.f32 v22, v60;
	v4 =	vld [tilespmem:s21+$0x60]  }
0x38: {  	v11 =	vadd.f32 v6, v11;
	v10 =	vadd.f32 v7, v10;
	v7 =	vld [tilespmem:s21+$0x70]  }
0x39: {  	v15 =	vadd.f32 v59, v15;
	v6 =	vld [tilespmem:s21+$0xA0];
	v14 =	vadd.f32 v14, v16  }
0x3a: {  	v62 =	vadd.f32 v5, v11;
	v63 =	vadd.f32 v8, v10;
	v8 =	vld [tilespmem:s21+$0xB0]  }
0x3b: {  	v11 =	vadd.f32 v61, v15;
	v5 =	vld [tilespmem:s21+$0xE0];
	v10 =	vadd.f32 v13, v14  }
0x3c: {  	s20 =	simm.s32 $0x0;
	v13 =	vadd.f32 v9, v62;
	v12 =	vadd.f32 v12, v63;
	v9 =	vld [tilespmem:s21+$0xF0];
	s21 =	simm.s32 $0x6700  }
.LBB2_3:
0x3d: {  	v14 =	vld [tilespmem:s21+$0xC0];
	v4 =	vadd.f32 v4, v11;
	v7 =	vadd.f32 v7, v10  }
0x3e: {  	v10 =	vld [tilespmem:s21+$0xD0];
	v11 =	vadd.f32 v2, v13;
	v12 =	vadd.f32 v3, v12  }
0x3f: {  	v2 =	vld [tilespmem:s21+$0x80];
	v4 =	vadd.f32 v6, v4;
	v6 =	vadd.f32 v8, v7  }
0x40: {  	v3 =	vld [tilespmem:s21+$0x90];
	v7 =	vadd.f32 v0, v11;
	v8 =	vadd.f32 v1, v12  }
0x41: {  	v12 =	vld [tilespmem:s21+$0x40];
	v4 =	vadd.f32 v5, v4;
	v5 =	vadd.f32 v9, v6  }
0x42: {  	v9 =	vld [tilespmem:s21+$0x50];
	v0 =	vmov v14  }
0x43: {  	v11 =	vld [tilespmem:s21+$0x0];
	v1 =	vmov v10  }
0x44: {  	v10 =	vld [tilespmem:s21+$0x10]  }
0x45: {  	v6 =	vld [tilespmem:s21+$0xFFFFFFC0]  }
0x46: {  	v13 =	vld [tilespmem:s21+$0xFFFFFFD0]  }
0x47: {  	v14 =	vld [tilespmem:s21+$0xFFFFFF80]  }
0x48: {  	v15 =	vld [tilespmem:s21+$0xFFFFFF90]  }
0x49: {  	v16 =	vld [tilespmem:s21+$0xFFFFFF40]  }
0x4a: {  	v17 =	vld [tilespmem:s21+$0xFFFFFF50]  }
0x4b: {  	v18 =	vld [tilespmem:s21+$0xFFFFFF00]  }
0x4c: {  	v19 =	vld [tilespmem:s21+$0xFFFFFF10]  }
0x4d: {  	v20 =	vld [tilespmem:s21+$0xFFFFFF20]  }
0x4e: {  	s20 =	sadd.s32 $0x8, s20;
	v21 =	vld [tilespmem:s21+$0xFFFFFF30]  }
0x4f: {  	p0 =	slt.u32 s20, $0xC0;
	v22 =	vld [tilespmem:s21+$0xFFFFFF60]  }
0x50: {  	v23 =	vld [tilespmem:s21+$0xFFFFFF70]  }
0x51: {  	v24 =	vld [tilespmem:s21+$0xFFFFFFA0]  }
0x52: {  	v7 =	vadd.f32 v18, v7;
	v8 =	vadd.f32 v19, v8;
	v18 =	vld [tilespmem:s21+$0xFFFFFFB0]  }
0x53: {  	v4 =	vadd.f32 v20, v4;
	v5 =	vadd.f32 v21, v5;
	v19 =	vld [tilespmem:s21+$0xFFFFFFE0]  }
0x54: {  	v7 =	vadd.f32 v16, v7;
	v8 =	vadd.f32 v17, v8;
	v16 =	vld [tilespmem:s21+$0xFFFFFFF0]  }
0x55: {  	v4 =	vadd.f32 v22, v4;
	v5 =	vadd.f32 v23, v5;
	v17 =	vld [tilespmem:s21+$0x20]  }
0x56: {  	v7 =	vadd.f32 v14, v7;
	v8 =	vadd.f32 v15, v8;
	v14 =	vld [tilespmem:s21+$0x30]  }
0x57: {  	v15 =	vadd.f32 v24, v4;
	v5 =	vadd.f32 v18, v5;
	v4 =	vld [tilespmem:s21+$0x60]  }
.Ltmp0:
0x58: {  	v18 =	vadd.f32 v6, v7;
	v8 =	vadd.f32 v13, v8;
	v7 =	vld [tilespmem:s21+$0x70];
	(pc) =	sbr.rel @p0 .LBB2_3-.Ltmp0, $4  }
0x59: {  	v13 =	vadd.f32 v19, v15;
	v5 =	vadd.f32 v16, v5;
	v6 =	vld [tilespmem:s21+$0xA0]  }
0x5a: {  	v15 =	vadd.f32 v11, v18;
	v16 =	vadd.f32 v10, v8;
	v8 =	vld [tilespmem:s21+$0xB0]  }
0x5b: {  	v11 =	vadd.f32 v17, v13;
	v10 =	vadd.f32 v14, v5;
	v5 =	vld [tilespmem:s21+$0xE0]  }
0x5c: {  	v13 =	vadd.f32 v12, v15;
	v12 =	vadd.f32 v9, v16;
	v9 =	vld [tilespmem:s21+$0xF0];
	s21 =	sadd.s32 $0x200, s21  }
0x5d: {  	_ = 	snop  }
0x5e: {  	v4 =	vadd.f32 v4, v11;
	v2 =	vadd.f32 v2, v13  }
0x5f: {  	v7 =	vadd.f32 v7, v10;
	v3 =	vadd.f32 v3, v12  }
0x60: {  	s20 =	sshll.u32 s18, $0x7;
	v4 =	vadd.f32 v6, v4;
	v0 =	vadd.f32 v0, v2  }
0x61: {  	p0 =	seq.s32 s18, $0x3F;
	s20 =	sand.u32 $0x3FFFFF80, s20;
	v2 =	vadd.f32 v8, v7;
	v1 =	vadd.f32 v1, v3  }
0x62: {  	s21 =	smul.u32 @!p0 $0x640, s18;
	v3 =	vadd.f32 v5, v4;
	[tilespmem:s20+$0xC800] =	vst v0  }
0x63: {  	v0 =	vadd.f32 v9, v2;
	[tilespmem:s20+$0xC810] =	vst v1  }
0x64: {  	s21 =	sshra.s32 @!p0 s21, $0x2;
	[tilespmem:s20+$0xC820] =	vst v3  }
0x65: {  	s22 =	simm.s32 @!p0 $0x80;
	s23 =	simm.s32 @!p0 $0x6400;
	[tilespmem:s20+$0xC830] =	vst v0;
	s20 =	sadd.s32 @!p0 $0x190, s21  }
0x66: {  	[tilespmem:s23], [sflag:$0x1] =	stream.indirect.gather @!p0 [hbm4b:s3+s22], $0x40, s20, s22, $0xb8;
	[tilespmem:$0xE800] =	vst v63  }
0x67: {  	s20 =	sadd.s32 @!p0 $0x210, s21;
	s21 =	simm.s32 @!p0 $0x48;
	s22 =	simm.s32 @!p0 $0x8400  }
0x68: {  	[tilespmem:s22], [sflag:$0x1] =	stream.indirect.gather @!p0 [hbm4b:s3+s21], $0x40, s20, s21, $0xb8;
	[tilespmem:$0xE800] =	vst v63  }
0x69: {  	_ =	swait.ge [sflag:s15], $0x3200  }
0x6a: {  	[sflag:s15] =	ssyncset.done $0x0  }
0x6b: {  	s31 =	simm.s32 $0x9700;
	[sflag:s15] =	ssyncadd.s32 $0xFFFFCE00  }
0x6c: {  	v0 =	vld [tilespmem:s31+$0xC0]  }
0x6d: {  	v1 =	vld [tilespmem:s31+$0xD0]  }
0x6e: {  	v2 =	vld [tilespmem:s31+$0x80]  }
0x6f: {  	v3 =	vld [tilespmem:s31+$0x90]  }
0x70: {  	v9 =	vld [tilespmem:s31+$0x40]  }
0x71: {  	v12 =	vld [tilespmem:s31+$0x50]  }
0x72: {  	v6 =	vld [tilespmem:s31+$0x0]  }
0x73: {  	v8 =	vld [tilespmem:s31+$0x10]  }
0x74: {  	v5 =	vld [tilespmem:s31+$0xFFFFFFC0]  }
0x75: {  	v7 =	vld [tilespmem:s31+$0xFFFFFFD0]  }
0x76: {  	v4 =	vld [tilespmem:s31+$0xFFFFFF80]  }
0x77: {  	v10 =	vld [tilespmem:s31+$0xFFFFFF90]  }
0x78: {  	v11 =	vld [tilespmem:s31+$0xFFFFFF40]  }
0x79: {  	v13 =	vld [tilespmem:s31+$0xFFFFFF50]  }
0x7a: {  	v14 =	vld [tilespmem:s31+$0xFFFFFF00]  }
0x7b: {  	v15 =	vld [tilespmem:s31+$0xFFFFFF10]  }
0x7c: {  	v16 =	vld [tilespmem:s31+$0xFFFFFF20]  }
0x7d: {  	v17 =	vld [tilespmem:s31+$0xFFFFFF30]  }
0x7e: {  	v18 =	vld [tilespmem:s31+$0xFFFFFF60]  }
0x7f: {  	v19 =	vld [tilespmem:s31+$0xFFFFFF70]  }
0x80: {  	v20 =	vimm.f32 $0.0e+00;
	v21 =	vld [tilespmem:s31+$0xFFFFFFA0]  }
0x81: {  	v22 =	vld [tilespmem:s31+$0xFFFFFFB0];
	v14 =	vadd.f32 v14, v20;
	v15 =	vadd.f32 v15, v20  }
0x82: {  	v59 =	vld [tilespmem:s31+$0xFFFFFFE0];
	v16 =	vadd.f32 v16, v20;
	v17 =	vadd.f32 v17, v20  }
0x83: {  	v11 =	vadd.f32 v11, v14;
	v13 =	vadd.f32 v13, v15;
	v14 =	vld [tilespmem:s31+$0xFFFFFFF0]  }
0x84: {  	v61 =	vld [tilespmem:s31+$0x20];
	v15 =	vadd.f32 v18, v16;
	v60 =	vadd.f32 v19, v17  }
0x85: {  	v11 =	vadd.f32 v4, v11;
	v10 =	vadd.f32 v10, v13;
	v13 =	vld [tilespmem:s31+$0x30]  }
0x86: {  	v15 =	vadd.f32 v21, v15;
	v16 =	vadd.f32 v22, v60;
	v4 =	vld [tilespmem:s31+$0x60]  }
0x87: {  	v11 =	vadd.f32 v5, v11;
	v10 =	vadd.f32 v7, v10;
	v7 =	vld [tilespmem:s31+$0x70]  }
0x88: {  	v15 =	vadd.f32 v59, v15;
	v5 =	vld [tilespmem:s31+$0xA0];
	v14 =	vadd.f32 v14, v16  }
0x89: {  	v62 =	vadd.f32 v6, v11;
	v63 =	vadd.f32 v8, v10;
	v8 =	vld [tilespmem:s31+$0xB0]  }
0x8a: {  	v11 =	vadd.f32 v61, v15;
	v6 =	vld [tilespmem:s31+$0xE0];
	v10 =	vadd.f32 v13, v14  }
0x8b: {  	s20 =	simm.s32 $0x0;
	s21 =	simm.s32 $0x9900;
	v13 =	vadd.f32 v9, v62;
	v12 =	vadd.f32 v12, v63;
	v9 =	vld [tilespmem:s31+$0xF0]  }
.LBB2_5:
0x8c: {  	v14 =	vld [tilespmem:s21+$0xC0];
	v4 =	vadd.f32 v4, v11;
	v7 =	vadd.f32 v7, v10  }
0x8d: {  	v10 =	vld [tilespmem:s21+$0xD0];
	v11 =	vadd.f32 v2, v13;
	v12 =	vadd.f32 v3, v12  }
0x8e: {  	v2 =	vld [tilespmem:s21+$0x80];
	v4 =	vadd.f32 v5, v4;
	v5 =	vadd.f32 v8, v7  }
0x8f: {  	v3 =	vld [tilespmem:s21+$0x90];
	v7 =	vadd.f32 v0, v11;
	v8 =	vadd.f32 v1, v12  }
0x90: {  	v12 =	vld [tilespmem:s21+$0x40];
	v4 =	vadd.f32 v6, v4;
	v5 =	vadd.f32 v9, v5  }
0x91: {  	v9 =	vld [tilespmem:s21+$0x50];
	v0 =	vmov v14  }
0x92: {  	v6 =	vld [tilespmem:s21+$0x0];
	v1 =	vmov v10  }
0x93: {  	v10 =	vld [tilespmem:s21+$0x10]  }
0x94: {  	v11 =	vld [tilespmem:s21+$0xFFFFFFC0]  }
0x95: {  	v13 =	vld [tilespmem:s21+$0xFFFFFFD0]  }
0x96: {  	v14 =	vld [tilespmem:s21+$0xFFFFFF80]  }
0x97: {  	v15 =	vld [tilespmem:s21+$0xFFFFFF90]  }
0x98: {  	v16 =	vld [tilespmem:s21+$0xFFFFFF40]  }
0x99: {  	v17 =	vld [tilespmem:s21+$0xFFFFFF50]  }
0x9a: {  	v18 =	vld [tilespmem:s21+$0xFFFFFF00]  }
0x9b: {  	v19 =	vld [tilespmem:s21+$0xFFFFFF10]  }
0x9c: {  	v20 =	vld [tilespmem:s21+$0xFFFFFF20]  }
0x9d: {  	s20 =	sadd.s32 $0x8, s20;
	v21 =	vld [tilespmem:s21+$0xFFFFFF30]  }
0x9e: {  	p0 =	slt.u32 s20, $0xC0;
	v22 =	vld [tilespmem:s21+$0xFFFFFF60]  }
0x9f: {  	v23 =	vld [tilespmem:s21+$0xFFFFFF70]  }
0xa0: {  	v24 =	vld [tilespmem:s21+$0xFFFFFFA0]  }
0xa1: {  	v7 =	vadd.f32 v18, v7;
	v8 =	vadd.f32 v19, v8;
	v18 =	vld [tilespmem:s21+$0xFFFFFFB0]  }
0xa2: {  	v4 =	vadd.f32 v20, v4;
	v5 =	vadd.f32 v21, v5;
	v19 =	vld [tilespmem:s21+$0xFFFFFFE0]  }
0xa3: {  	v7 =	vadd.f32 v16, v7;
	v8 =	vadd.f32 v17, v8;
	v16 =	vld [tilespmem:s21+$0xFFFFFFF0]  }
0xa4: {  	v4 =	vadd.f32 v22, v4;
	v5 =	vadd.f32 v23, v5;
	v17 =	vld [tilespmem:s21+$0x20]  }
0xa5: {  	v7 =	vadd.f32 v14, v7;
	v8 =	vadd.f32 v15, v8;
	v14 =	vld [tilespmem:s21+$0x30]  }
0xa6: {  	v15 =	vadd.f32 v24, v4;
	v5 =	vadd.f32 v18, v5;
	v4 =	vld [tilespmem:s21+$0x60]  }
.Ltmp1:
0xa7: {  	v11 =	vadd.f32 v11, v7;
	v8 =	vadd.f32 v13, v8;
	v7 =	vld [tilespmem:s21+$0x70];
	(pc) =	sbr.rel @p0 .LBB2_5-.Ltmp1, $4  }
0xa8: {  	v13 =	vadd.f32 v19, v15;
	v15 =	vadd.f32 v16, v5;
	v5 =	vld [tilespmem:s21+$0xA0]  }
0xa9: {  	v16 =	vadd.f32 v6, v11;
	v18 =	vadd.f32 v10, v8;
	v8 =	vld [tilespmem:s21+$0xB0]  }
0xaa: {  	v11 =	vadd.f32 v17, v13;
	v10 =	vadd.f32 v14, v15;
	v6 =	vld [tilespmem:s21+$0xE0]  }
0xab: {  	v13 =	vadd.f32 v12, v16;
	v12 =	vadd.f32 v9, v18;
	v9 =	vld [tilespmem:s21+$0xF0];
	s21 =	sadd.s32 $0x200, s21  }
0xac: {  	_ = 	snop  }
0xad: {  	v4 =	vadd.f32 v4, v11;
	v2 =	vadd.f32 v2, v13  }
0xae: {  	v7 =	vadd.f32 v7, v10;
	s18 =	sadd.s32 $0x1, s18;
	v3 =	vadd.f32 v3, v12  }
0xaf: {  	s19 =	sshll.u32 s19, $0x6;
	p0 =	sne.s32 s18, $0x40;
	v4 =	vadd.f32 v5, v4;
	v0 =	vadd.f32 v0, v2  }
.Ltmp2:
0xb0: {  	s19 =	sand.u32 $0x3FFFFFC0, s19;
	v61 =	vadd.f32 v8, v7;
	v1 =	vadd.f32 v1, v3;
	(pc) =	sbr.rel @p0 .LBB2_2-.Ltmp2, $4  }
0xb1: {  	v62 =	vadd.f32 v6, v4;
	[tilespmem:s19+$0xC800] =	vst v0  }
0xb2: {  	v63 =	vadd.f32 v9, v61;
	[tilespmem:s19+$0xC810] =	vst v1  }
0xb3: {  	[tilespmem:s19+$0xC820] =	vst v62  }
0xb4: {  	[tilespmem:s19+$0xC830] =	vst v63  }
0xb5: {  	s17 =	sadd.s32 $0x1, s17  }
0xb6: {  	p0 =	sne.s32 s17, s6  }
.Ltmp3:
0xb7: {  	_ = 	snop;
	(pc) =	sbr.rel @p0 .LBB2_1-.Ltmp3, $4  }
0xb8: {  	[hbm4b:s5+s2] =	stream.linear.scatter [tilespmem:s16], [sflag:$0x3], $0x2000, $0x38;
	[tilespmem:$0xE800] =	vst v63  }
0xb9: {  	_ =	swait.ge [sflag:s7], $0x2000  }
0xba: {  	[sflag:s7] =	ssyncset.done $0x0  }
0xbb: {  	[sflag:s7] =	ssyncadd.s32 $0xFFFFE000  }
0xbc: {  	_ =	sfence.sel $0x180000  }
0xbd: {  	[bflag:$0x0] =	sbarrier.arrive $0xFFFF  }
0xbe: {  	p0 =	sne.s32 s0, $0x0;
	_ =	strace $0x90000047  }
0xbf: {  	s0 =	sadd.s32 @!p0 $0x100000, s1;
	[bflag:$0x2] =	sbarrier.arrive $0xFFFF  }
0xc0: {  	[sflag:s0] =	ssyncadd.tile.s32 @!p0 $0x1;
	_ =	shalt  }
.Lfunc_end2:
_tile_overlayer_lowered:
.L_overlay_start_2:
0xc1: {  	(tag) =	ssettag $0x2  }
0xc2: {  	s0 =	rddreg [dreg:$0x0];
	s2 =	stileid.u32  }
0xc3: {  	s1 =	rddreg [dreg:$0x1];
	p0 =	sne.s32 s2, $0x0  }
0xc4: {  	s3 =	rddreg [dreg:$0x2];
	[bflag:$0x3] =	sbarrier.arrive $0xFFFF;
	s2 =	simm.s32 @!p0 $0x1C03  }
0xc5: {  	[timem:s3], [sflag:s2] =	dma.local @!p0 [hbm:s0], s1  }
0xc6: {  	s0 =	simm.s32 @!p0 $0x3  }
0xc7: {  	_ =	swait.ge @!p0 [sflag:s0], s1  }
0xc8: {  	s1 =	ssub.s32 @!p0 $0x0, s1;
	[sflag:s0] =	ssyncset.done @!p0 $0x0  }
0xc9: {  	[sflag:s0] =	ssyncadd.s32 @!p0 s1  }
0xca: {  	[bflag:$0x3] =	sbarrier.arrive $0xFFFF  }
0xcb: {  	_ =	shalt  }

</sc_bundles>
